<compile_context>
chip_gen: v7x
topology: tpu7x:2x2x1
jax: 0.10.2.dev20260603
libtpu: 0.0.44.dev20260713+nightly
codegen_flags: <defaults>
</compile_context>

<pallas_src>
import jax
import jax.numpy as jnp
from jax import lax
from jax.experimental import pallas as pl
from jax.experimental.pallas import tpu as pltpu
from jax.experimental.pallas import tpu_sc as plsc

NC = 2
NS = 16
CH = 128
DE = 16
SLOW_FRAC = 0.363


def _dot_t(a, w):
    return lax.dot_general(a, w, (((1,), (1,)), ((), ())),
                           preferred_element_type=jnp.float32)


def _project_first(x, wn, ws, grid=16):
    NP, D = x.shape
    DO = wn.shape[0]
    BR = NP // grid

    def body(x_ref, wn_ref, ws_ref, q_ref, s_ref):
        h = x_ref[...]
        q = _dot_t(h, wn_ref[...])
        q_ref[...] = jnp.concatenate(
            [q, jnp.ones((BR, DE), jnp.float32)], axis=1)
        s_ref[...] = _dot_t(h, ws_ref[...])

    return pl.pallas_call(
        body,
        grid=(grid,),
        in_specs=[
            pl.BlockSpec((BR, D), lambda i: (i, 0)),
            pl.BlockSpec((DO, D), lambda i: (0, 0)),
            pl.BlockSpec((DO, D), lambda i: (0, 0)),
        ],
        out_specs=[
            pl.BlockSpec((BR, DO + DE), lambda i: (i, 0)),
            pl.BlockSpec((BR, DO), lambda i: (i, 0)),
        ],
        out_shape=[
            jax.ShapeDtypeStruct((NP, DO + DE), jnp.float32),
            jax.ShapeDtypeStruct((NP, DO), jnp.float32),
        ],
    )(x, wn, ws)


def _combine_project(s1, aggp, b, wn, ws, grid=16):
    NP, DH = s1.shape
    DO = wn.shape[0]
    BR = NP // grid

    def body(s1_ref, agg_ref, b_ref, wn_ref, ws_ref, q_ref, s_ref, r_ref):
        agg = agg_ref[0, :, 0:DH] + agg_ref[1, :, 0:DH]
        deg = agg_ref[0, :, DH:DH + 1] + agg_ref[1, :, DH:DH + 1]
        recip = 1.0 / jnp.maximum(deg, 1.0)
        h = s1_ref[...] + agg * recip + b_ref[...]
        h = jnp.maximum(h, 0.0)
        q_ref[...] = _dot_t(h, wn_ref[...])
        s_ref[...] = _dot_t(h, ws_ref[...])
        r_ref[...] = jnp.broadcast_to(recip, (BR, 8))

    return pl.pallas_call(
        body,
        grid=(grid,),
        in_specs=[
            pl.BlockSpec((BR, DH), lambda i: (i, 0)),
            pl.BlockSpec((NC, BR, DH + DE), lambda i: (0, i, 0)),
            pl.BlockSpec((1, DH), lambda i: (0, 0)),
            pl.BlockSpec((DO, DH), lambda i: (0, 0)),
            pl.BlockSpec((DO, DH), lambda i: (0, 0)),
        ],
        out_specs=[
            pl.BlockSpec((BR, DO), lambda i: (i, 0)),
            pl.BlockSpec((BR, DO), lambda i: (i, 0)),
            pl.BlockSpec((BR, 8), lambda i: (i, 0)),
        ],
        out_shape=[
            jax.ShapeDtypeStruct((NP, DO), jnp.float32),
            jax.ShapeDtypeStruct((NP, DO), jnp.float32),
            jax.ShapeDtypeStruct((NP, 8), jnp.float32),
        ],
    )(s1, aggp, b, wn, ws)


def _combine_final(s2, aggp, recip, b, grid=16):
    NP, DO = s2.shape
    BR = NP // grid

    def body(s2_ref, agg_ref, r_ref, b_ref, o_ref):
        agg = agg_ref[0] + agg_ref[1]
        o_ref[...] = s2_ref[...] + agg * r_ref[:, 0:1] + b_ref[...]

    return pl.pallas_call(
        body,
        grid=(grid,),
        in_specs=[
            pl.BlockSpec((BR, DO), lambda i: (i, 0)),
            pl.BlockSpec((NC, BR, DO), lambda i: (0, i, 0)),
            pl.BlockSpec((BR, 8), lambda i: (i, 0)),
            pl.BlockSpec((1, DO), lambda i: (0, 0)),
        ],
        out_specs=pl.BlockSpec((BR, DO), lambda i: (i, 0)),
        out_shape=jax.ShapeDtypeStruct((NP, DO), jnp.float32),
    )(s2, aggp, recip, b)


def _sc_segment_sum(q, src2, dst2, zrow, K0, K1):
    NP, D = q.shape
    KM = max(K0, K1)
    RPS = NP // NS
    mesh = plsc.VectorSubcoreMesh(core_axis_name="c", subcore_axis_name="s")

    def body(q_hbm, src_hbm, dst_hbm, z_hbm, agg_out,
             src_v, dst_v, buf, agg_sh, sem_g, sem_s):
        c = lax.axis_index("c")
        s = lax.axis_index("s")
        r0 = s * RPS
        pltpu.sync_copy(z_hbm, agg_sh.at[pl.ds(r0, RPS)])

        def run(K, base):
            pltpu.sync_copy(src_hbm.at[pl.ds(base, K)],
                            src_v.at[pl.ds(0, K)])
            pltpu.sync_copy(dst_hbm.at[pl.ds(base, K)],
                            dst_v.at[pl.ds(0, K)])
            plsc.subcore_barrier()
            pltpu.async_copy(q_hbm.at[src_v.at[0]], buf.at[0], sem_g)

            def step(j, carry):
                slot = lax.rem(j, 2)
                nslot = lax.rem(j + 1, 2)
                pltpu.make_async_copy(
                    q_hbm.at[src_v.at[j]], buf.at[slot], sem_g).wait()

                @pl.when(j >= 1)
                def _():
                    pltpu.make_async_copy(
                        buf.at[nslot],
                        agg_sh.at[dst_v.at[j - 1]], sem_s).wait()

                @pl.when(j + 1 < K)
                def _():
                    pltpu.async_copy(
                        q_hbm.at[src_v.at[j + 1]], buf.at[nslot], sem_g)

                pltpu.async_copy(
                    buf.at[slot], agg_sh.at[dst_v.at[j]], sem_s, add=True)
                return carry

            lax.fori_loop(0, K, step, 0)
            pltpu.make_async_copy(
                buf.at[lax.rem(K - 1, 2)],
                agg_sh.at[dst_v.at[K - 1]], sem_s).wait()
            plsc.subcore_barrier()
            pltpu.sync_copy(agg_sh.at[pl.ds(r0, RPS)],
                            agg_out.at[c, pl.ds(r0, RPS)])

        @pl.when(c == 0)
        def _():
            run(K0, s * K0)

        @pl.when(c == 1)
        def _():
            run(K1, NS * K0 + s * K1)

    f = pl.kernel(
        body,
        out_type=jax.ShapeDtypeStruct((NC, NP, D), jnp.float32),
        mesh=mesh,
        scratch_types=(
            pltpu.VMEM((KM, CH), jnp.int32),
            pltpu.VMEM((KM, CH), jnp.int32),
            pltpu.VMEM((2, CH, D), jnp.float32),
            pltpu.VMEM_SHARED((NP, D), jnp.float32),
            pltpu.SemaphoreType.DMA,
            pltpu.SemaphoreType.DMA,
        ),
        compiler_params=pltpu.CompilerParams(use_tc_tiling_on_sc=False),
    )
    return f(q, src2, dst2, zrow)


def kernel(x, edge_index, W_self1, W_neigh1, b1, W_self2, W_neigh2, b2):
    N, D_IN = x.shape
    E = edge_index.shape[1]
    D_H = W_self1.shape[0]
    D_OUT = W_self2.shape[0]

    NP = ((N + 1024) // 1024) * 1024
    RPS = NP // NS

    TOT = -(-E // CH)
    PAIR = -(-TOT // NS)
    K0 = max(1, round(PAIR * SLOW_FRAC))
    K1 = PAIR - K0
    EPAD = NS * (K0 + K1) * CH

    x_p = jnp.pad(x, ((0, NP - N), (0, 0)))
    pad = EPAD - E
    ei_p = jnp.pad(edge_index, ((0, 0), (0, pad)), constant_values=N)
    src2 = ei_p[0].reshape(-1, CH)
    dst2 = ei_p[1].reshape(-1, CH)
    zrow1 = jnp.zeros((RPS, D_H + DE), jnp.float32)
    zrow2 = jnp.zeros((RPS, D_OUT), jnp.float32)
    b1r = b1.reshape(1, D_H)
    b2r = b2.reshape(1, D_OUT)

    q1e, s1 = _project_first(x_p, W_neigh1, W_self1)
    aggp1 = _sc_segment_sum(q1e, src2, dst2, zrow1, K0, K1)
    q2, s2, recip = _combine_project(s1, aggp1, b1r, W_neigh2, W_self2)

    aggp2 = _sc_segment_sum(q2, src2, dst2, zrow2, K0, K1)
    out = _combine_final(s2, aggp2, recip, b2r)
    return out[:N]

# --- scband reference (transcript-rebuilt; emitter-appended) ---
"""Pipeline reference for scband-homo-graph-sageencoder-27754078667399 (READ-ONLY COPY).

The authoritative reference and input builder live on the scoring server;
editing this copy changes nothing except your own understanding.
"""

import jax, jax.numpy as jnp
import numpy as np

N = 10000
E = 320000
D_IN = 128
D_H = 64
D_OUT = 64


def setup_inputs(seed: int = 0) -> dict:
    key = jax.random.key(seed)
    ks = jax.random.split(key, 9)
    x = jax.random.normal(ks[0], (N, D_IN), dtype=jnp.float32)
    edge_index = jax.random.randint(ks[1], (2, E), 0, N, dtype=jnp.int32)
    # DGL SAGEConv (mean): fc_self and fc_neigh are bias-free Linears, plus a shared bias.
    s1 = 1.0 / np.sqrt(D_IN)
    s2 = 1.0 / np.sqrt(D_H)
    W_self1 = jax.random.uniform(ks[2], (D_H, D_IN), jnp.float32, -s1, s1)
    W_neigh1 = jax.random.uniform(ks[3], (D_H, D_IN), jnp.float32, -s1, s1)
    b1 = jnp.zeros((D_H,), jnp.float32)
    W_self2 = jax.random.uniform(ks[4], (D_OUT, D_H), jnp.float32, -s2, s2)
    W_neigh2 = jax.random.uniform(ks[5], (D_OUT, D_H), jnp.float32, -s2, s2)
    b2 = jnp.zeros((D_OUT,), jnp.float32)
    return {
        "x": x,
        "edge_index": edge_index,
        "W_self1": W_self1,
        "W_neigh1": W_neigh1,
        "b1": b1,
        "W_self2": W_self2,
        "W_neigh2": W_neigh2,
        "b2": b2,
    }


def reference(x, edge_index, W_self1, W_neigh1, b1, W_self2, W_neigh2, b2):
    src = edge_index[0]
    dst = edge_index[1]

    def sage_layer(h, W_self, W_neigh, b):
        # message: copy src features along edges; reduce: mean at dst (DGL 'mean' aggregator)
        msg = jnp.take(h, src, axis=0)
        agg = jax.ops.segment_sum(msg, dst, num_segments=N)
        deg = jax.ops.segment_sum(jnp.ones((E, 1), h.dtype), dst, num_segments=N)
        h_neigh = agg / jnp.clip(deg, 1.0, None)  # zero in-degree nodes stay zero
        return h @ W_self.T + h_neigh @ W_neigh.T + b

    h = sage_layer(x, W_self1, W_neigh1, b1)
    h = jax.nn.relu(h)
    h = sage_layer(h, W_self2, W_neigh2, b2)
    return h

if __name__ == "__main__":
    import jax
    _d = setup_inputs()
    print(jax.jit(kernel)(*tuple(_d.values())))

</pallas_src>

<mosaic_0001>
#map = affine_map<(d0, d1) -> (0, 0)>
#map1 = affine_map<(d0, d1) -> (0, 0, 0)>
module attributes {stable_mosaic.version = 14 : i64} {
  func.func @body(%arg0: i32, %arg1: i32, %arg2: memref<10240x64xf32, #tpu.memory_space<hbm>>, %arg3: memref<2512x128xi32, #tpu.memory_space<hbm>>, %arg4: memref<2512x128xi32, #tpu.memory_space<hbm>>, %arg5: memref<640x64xf32, #tpu.memory_space<hbm>>, %arg6: memref<2x10240x64xf32, #tpu.memory_space<hbm>>, %arg7: memref<100x128xi32, #tpu.memory_space<vmem>>, %arg8: memref<100x128xi32, #tpu.memory_space<vmem>>, %arg9: memref<2x128x64xf32, #tpu.memory_space<vmem>>, %arg10: memref<10240x64xf32, #tpu.memory_space<vmem_shared>>, %arg11: memref<!tpu.dma_semaphore, #tpu.memory_space<semaphore_mem>>, %arg12: memref<!tpu.dma_semaphore, #tpu.memory_space<semaphore_mem>>) attributes {dimension_semantics = [#tpu.dimension_semantics<core_parallel>, #tpu.dimension_semantics<subcore_parallel>], iteration_bounds = array<i64: 2, 16>, scalar_prefetch = 0 : i64, scratch_operands = 6 : i64, tpu.core_type = #tpu.core_type<sc_vector_subcore>, window_params = [{transform_indices = #map}, {transform_indices = #map}, {transform_indices = #map}, {transform_indices = #map}, {transform_indices = #map1}]} {
    %mul3A = arith.constant 640 : i32
    %mul3A_0 = arith.muli %arg1, %mul3A : i32
    "tpu.region"() ({
      %run_scoped3A = tpu.sem_alloc : memref<!tpu.dma_semaphore, #tpu.memory_space<semaphore_mem>>
      %dma_start3A = arith.constant 0 : i32
      %dma_start3A_8 = tpu.memref_slice %arg10[%mul3A_0, %dma_start3A] : memref<10240x64xf32, #tpu.memory_space<vmem_shared>> -> memref<640x64xf32, #tpu.memory_space<vmem_shared>>
      tpu.enqueue_dma source(%arg5 : memref<640x64xf32, #tpu.memory_space<hbm>>) target(%dma_start3A_8 : memref<640x64xf32, #tpu.memory_space<vmem_shared>>) target_semaphore(%run_scoped3A : memref<!tpu.dma_semaphore, #tpu.memory_space<semaphore_mem>>)
      %dma_wait3A = arith.constant 0 : i32
      %dma_wait3A_9 = tpu.memref_slice %arg10[%mul3A_0, %dma_wait3A] : memref<10240x64xf32, #tpu.memory_space<vmem_shared>> -> memref<640x64xf32, #tpu.memory_space<vmem_shared>>
      tpu.wait_dma2 semaphore(%run_scoped3A : memref<!tpu.dma_semaphore, #tpu.memory_space<semaphore_mem>>) src(%arg5 : memref<640x64xf32, #tpu.memory_space<hbm>>) dst(%dma_wait3A_9 : memref<640x64xf32, #tpu.memory_space<vmem_shared>>)
      tpu.yield
    }) : () -> ()
    %eq3A = arith.constant 0 : i32
    %eq3A_1 = arith.cmpi eq, %arg0, %eq3A : i32
    %convert_element_type3A = arith.extui %eq3A_1 : i1 to i32
    %cond3A = arith.constant 0 : i32
    %cond3A_2 = arith.cmpi ne, %convert_element_type3A, %cond3A : i32
    scf.if %cond3A_2 {
      %mul3A_8 = arith.constant 57 : i32
      %mul3A_9 = arith.muli %arg1, %mul3A_8 : i32
      "tpu.region"() ({
        %run_scoped3A = tpu.sem_alloc : memref<!tpu.dma_semaphore, #tpu.memory_space<semaphore_mem>>
        %dma_start3A_39 = arith.constant 0 : i32
        %dma_start3A_40 = arith.constant 0 : i32
        %dma_start3A_41 = tpu.memref_slice %arg7[%dma_start3A_39, %dma_start3A_40] : memref<100x128xi32, #tpu.memory_space<vmem>> -> memref<57x128xi32, #tpu.memory_space<vmem>>
        %dma_start3A_42 = arith.constant 0 : i32
        %dma_start3A_43 = tpu.memref_slice %arg3[%mul3A_9, %dma_start3A_42] : memref<2512x128xi32, #tpu.memory_space<hbm>> -> memref<57x128xi32, #tpu.memory_space<hbm>>
        %dma_start3A_44 = arith.constant 0 : i32
        %dma_start3A_45 = arith.constant 0 : i32
        %dma_start3A_46 = tpu.memref_slice %arg7[%dma_start3A_44, %dma_start3A_45] : memref<100x128xi32, #tpu.memory_space<vmem>> -> memref<57x128xi32, #tpu.memory_space<vmem>>
        %dma_start3A_47 = arith.constant 0 : i32
        %dma_start3A_48 = tpu.memref_slice %arg3[%mul3A_9, %dma_start3A_47] : memref<2512x128xi32, #tpu.memory_space<hbm>> -> memref<57x128xi32, #tpu.memory_space<hbm>>
        tpu.enqueue_dma source(%dma_start3A_48 : memref<57x128xi32, #tpu.memory_space<hbm>>) target(%dma_start3A_46 : memref<57x128xi32, #tpu.memory_space<vmem>>) target_semaphore(%run_scoped3A : memref<!tpu.dma_semaphore, #tpu.memory_space<semaphore_mem>>)
        %dma_wait3A_49 = arith.constant 0 : i32
        %dma_wait3A_50 = arith.constant 0 : i32
        %dma_wait3A_51 = tpu.memref_slice %arg7[%dma_wait3A_49, %dma_wait3A_50] : memref<100x128xi32, #tpu.memory_space<vmem>> -> memref<57x128xi32, #tpu.memory_space<vmem>>
        %dma_wait3A_52 = arith.constant 0 : i32
        %dma_wait3A_53 = tpu.memref_slice %arg3[%mul3A_9, %dma_wait3A_52] : memref<2512x128xi32, #tpu.memory_space<hbm>> -> memref<57x128xi32, #tpu.memory_space<hbm>>
        %dma_wait3A_54 = arith.constant 0 : i32
        %dma_wait3A_55 = arith.constant 0 : i32
        %dma_wait3A_56 = tpu.memref_slice %arg7[%dma_wait3A_54, %dma_wait3A_55] : memref<100x128xi32, #tpu.memory_space<vmem>> -> memref<57x128xi32, #tpu.memory_space<vmem>>
        %dma_wait3A_57 = arith.constant 0 : i32
        %dma_wait3A_58 = tpu.memref_slice %arg3[%mul3A_9, %dma_wait3A_57] : memref<2512x128xi32, #tpu.memory_space<hbm>> -> memref<57x128xi32, #tpu.memory_space<hbm>>
        tpu.wait_dma2 semaphore(%run_scoped3A : memref<!tpu.dma_semaphore, #tpu.memory_space<semaphore_mem>>) src(%dma_wait3A_58 : memref<57x128xi32, #tpu.memory_space<hbm>>) dst(%dma_wait3A_56 : memref<57x128xi32, #tpu.memory_space<vmem>>)
        tpu.yield
      }) : () -> ()
      "tpu.region"() ({
        %run_scoped3A = tpu.sem_alloc : memref<!tpu.dma_semaphore, #tpu.memory_space<semaphore_mem>>
        %dma_start3A_39 = arith.constant 0 : i32
        %dma_start3A_40 = arith.constant 0 : i32
        %dma_start3A_41 = tpu.memref_slice %arg8[%dma_start3A_39, %dma_start3A_40] : memref<100x128xi32, #tpu.memory_space<vmem>> -> memref<57x128xi32, #tpu.memory_space<vmem>>
        %dma_start3A_42 = arith.constant 0 : i32
        %dma_start3A_43 = tpu.memref_slice %arg4[%mul3A_9, %dma_start3A_42] : memref<2512x128xi32, #tpu.memory_space<hbm>> -> memref<57x128xi32, #tpu.memory_space<hbm>>
        %dma_start3A_44 = arith.constant 0 : i32
        %dma_start3A_45 = arith.constant 0 : i32
        %dma_start3A_46 = tpu.memref_slice %arg8[%dma_start3A_44, %dma_start3A_45] : memref<100x128xi32, #tpu.memory_space<vmem>> -> memref<57x128xi32, #tpu.memory_space<vmem>>
        %dma_start3A_47 = arith.constant 0 : i32
        %dma_start3A_48 = tpu.memref_slice %arg4[%mul3A_9, %dma_start3A_47] : memref<2512x128xi32, #tpu.memory_space<hbm>> -> memref<57x128xi32, #tpu.memory_space<hbm>>
        tpu.enqueue_dma source(%dma_start3A_48 : memref<57x128xi32, #tpu.memory_space<hbm>>) target(%dma_start3A_46 : memref<57x128xi32, #tpu.memory_space<vmem>>) target_semaphore(%run_scoped3A : memref<!tpu.dma_semaphore, #tpu.memory_space<semaphore_mem>>)
        %dma_wait3A_49 = arith.constant 0 : i32
        %dma_wait3A_50 = arith.constant 0 : i32
        %dma_wait3A_51 = tpu.memref_slice %arg8[%dma_wait3A_49, %dma_wait3A_50] : memref<100x128xi32, #tpu.memory_space<vmem>> -> memref<57x128xi32, #tpu.memory_space<vmem>>
        %dma_wait3A_52 = arith.constant 0 : i32
        %dma_wait3A_53 = tpu.memref_slice %arg4[%mul3A_9, %dma_wait3A_52] : memref<2512x128xi32, #tpu.memory_space<hbm>> -> memref<57x128xi32, #tpu.memory_space<hbm>>
        %dma_wait3A_54 = arith.constant 0 : i32
        %dma_wait3A_55 = arith.constant 0 : i32
        %dma_wait3A_56 = tpu.memref_slice %arg8[%dma_wait3A_54, %dma_wait3A_55] : memref<100x128xi32, #tpu.memory_space<vmem>> -> memref<57x128xi32, #tpu.memory_space<vmem>>
        %dma_wait3A_57 = arith.constant 0 : i32
        %dma_wait3A_58 = tpu.memref_slice %arg4[%mul3A_9, %dma_wait3A_57] : memref<2512x128xi32, #tpu.memory_space<hbm>> -> memref<57x128xi32, #tpu.memory_space<hbm>>
        tpu.wait_dma2 semaphore(%run_scoped3A : memref<!tpu.dma_semaphore, #tpu.memory_space<semaphore_mem>>) src(%dma_wait3A_58 : memref<57x128xi32, #tpu.memory_space<hbm>>) dst(%dma_wait3A_56 : memref<57x128xi32, #tpu.memory_space<vmem>>)
        tpu.yield
      }) : () -> ()
      %barrier3A = arith.constant 0 : index
      tpu.barrier barrier_id(%barrier3A)
      %dma_start3A = arith.constant 0 : i32
      %dma_start3A_10 = arith.constant 0 : i32
      %dma_start3A_11 = arith.constant 0 : i32
      %dma_start3A_12 = arith.constant 0 : i32
      %dma_start3A_13 = tpu.memref_slice %arg9[%dma_start3A_10, %dma_start3A_11, %dma_start3A_12] : memref<2x128x64xf32, #tpu.memory_space<vmem>> -> memref<1x128x64xf32, #tpu.memory_space<vmem>>
      %dma_start3A_14 = tpu.memref_squeeze %dma_start3A_13 : memref<1x128x64xf32, #tpu.memory_space<vmem>> -> memref<128x64xf32, #tpu.memory_space<vmem>>
      %dma_start3A_15 = arith.constant 0 : i32
      %dma_start3A_16 = tpu.memref_slice %arg7[%dma_start3A, %dma_start3A_15] : memref<100x128xi32, #tpu.memory_space<vmem>> -> memref<1x128xi32, #tpu.memory_space<vmem>>
      %dma_start3A_17 = tpu.memref_squeeze %dma_start3A_16 : memref<1x128xi32, #tpu.memory_space<vmem>> -> memref<128xi32, #tpu.memory_space<vmem>>
      %dma_start3A_18 = arith.constant 0 : i32
      %dma_start3A_19 = arith.constant 0 : i32
      %dma_start3A_20 = tpu.memref_slice %arg2[%dma_start3A_18, %dma_start3A_19] : memref<10240x64xf32, #tpu.memory_space<hbm>> -> memref<10240x64xf32, #tpu.memory_space<hbm>>
      tpu.enqueue_indirect_dma source(%dma_start3A_20 : memref<10240x64xf32, #tpu.memory_space<hbm>>) target(%dma_start3A_14 : memref<128x64xf32, #tpu.memory_space<vmem>>) offsets(%dma_start3A_17 : memref<128xi32, #tpu.memory_space<vmem>>) semaphore(%arg11 : memref<!tpu.dma_semaphore, #tpu.memory_space<semaphore_mem>>)
      %scan3A = arith.constant 0 : i32
      %scan3A_21 = arith.constant 0 : i32
      %scan3A_22 = arith.constant 57 : i32
      %scan3A_23 = arith.addi %scan3A_21, %scan3A_22 : i32
      %scan3A_24 = arith.constant 1 : i32
      scf.for %scan3A_39 = %scan3A_21 to %scan3A_23 step %scan3A_24  : i32 {
        %rem3A_40 = arith.constant 2 : i32
        %rem3A_41 = arith.remsi %scan3A_39, %rem3A_40 : i32
        %add3A = arith.constant 1 : i32
        %add3A_42 = arith.addi %scan3A_39, %add3A : i32
        %rem3A_43 = arith.constant 2 : i32
        %rem3A_44 = arith.remsi %add3A_42, %rem3A_43 : i32
        %dma_wait3A_45 = arith.constant 0 : i32
        %dma_wait3A_46 = arith.constant 0 : i32
        %dma_wait3A_47 = tpu.memref_slice %arg9[%rem3A_41, %dma_wait3A_45, %dma_wait3A_46] : memref<2x128x64xf32, #tpu.memory_space<vmem>> -> memref<1x128x64xf32, #tpu.memory_space<vmem>>
        %dma_wait3A_48 = tpu.memref_squeeze %dma_wait3A_47 : memref<1x128x64xf32, #tpu.memory_space<vmem>> -> memref<128x64xf32, #tpu.memory_space<vmem>>
        %dma_wait3A_49 = arith.constant 0 : i32
        %dma_wait3A_50 = tpu.memref_slice %arg7[%scan3A_39, %dma_wait3A_49] : memref<100x128xi32, #tpu.memory_space<vmem>> -> memref<1x128xi32, #tpu.memory_space<vmem>>
        %dma_wait3A_51 = tpu.memref_squeeze %dma_wait3A_50 : memref<1x128xi32, #tpu.memory_space<vmem>> -> memref<128xi32, #tpu.memory_space<vmem>>
        %dma_wait3A_52 = arith.constant 0 : i32
        %dma_wait3A_53 = arith.constant 0 : i32
        %dma_wait3A_54 = tpu.memref_slice %arg2[%dma_wait3A_52, %dma_wait3A_53] : memref<10240x64xf32, #tpu.memory_space<hbm>> -> memref<10240x64xf32, #tpu.memory_space<hbm>>
        tpu.wait_indirect_dma semaphore(%arg11 : memref<!tpu.dma_semaphore, #tpu.memory_space<semaphore_mem>>) src(%dma_wait3A_54 : memref<10240x64xf32, #tpu.memory_space<hbm>>) dst(%dma_wait3A_48 : memref<128x64xf32, #tpu.memory_space<vmem>>)
        %ge3A = arith.constant 1 : i32
        %ge3A_55 = arith.cmpi sge, %scan3A_39, %ge3A : i32
        %convert_element_type3A_56 = arith.extui %ge3A_55 : i1 to i32
        %cond3A_57 = arith.constant 0 : i32
        %cond3A_58 = arith.cmpi ne, %convert_element_type3A_56, %cond3A_57 : i32
        scf.if %cond3A_58 {
          %sub3A = arith.constant 1 : i32
          %sub3A_75 = arith.subi %scan3A_39, %sub3A : i32
          %dma_wait3A_76 = arith.constant 0 : i32
          %dma_wait3A_77 = arith.constant 0 : i32
          %dma_wait3A_78 = tpu.memref_slice %arg9[%rem3A_44, %dma_wait3A_76, %dma_wait3A_77] : memref<2x128x64xf32, #tpu.memory_space<vmem>> -> memref<1x128x64xf32, #tpu.memory_space<vmem>>
          %dma_wait3A_79 = tpu.memref_squeeze %dma_wait3A_78 : memref<1x128x64xf32, #tpu.memory_space<vmem>> -> memref<128x64xf32, #tpu.memory_space<vmem>>
          %dma_wait3A_80 = arith.constant 0 : i32
          %dma_wait3A_81 = tpu.memref_slice %arg8[%sub3A_75, %dma_wait3A_80] : memref<100x128xi32, #tpu.memory_space<vmem>> -> memref<1x128xi32, #tpu.memory_space<vmem>>
          %dma_wait3A_82 = tpu.memref_squeeze %dma_wait3A_81 : memref<1x128xi32, #tpu.memory_space<vmem>> -> memref<128xi32, #tpu.memory_space<vmem>>
          %dma_wait3A_83 = arith.constant 0 : i32
          %dma_wait3A_84 = arith.constant 0 : i32
          %dma_wait3A_85 = tpu.memref_slice %arg10[%dma_wait3A_83, %dma_wait3A_84] : memref<10240x64xf32, #tpu.memory_space<vmem_shared>> -> memref<10240x64xf32, #tpu.memory_space<vmem_shared>>
          tpu.wait_indirect_dma semaphore(%arg12 : memref<!tpu.dma_semaphore, #tpu.memory_space<semaphore_mem>>) src(%dma_wait3A_79 : memref<128x64xf32, #tpu.memory_space<vmem>>) dst(%dma_wait3A_85 : memref<10240x64xf32, #tpu.memory_space<vmem_shared>>)
        } else {
        }
        %add3A_59 = arith.constant 1 : i32
        %add3A_60 = arith.addi %scan3A_39, %add3A_59 : i32
        %lt3A = arith.constant 57 : i32
        %lt3A_61 = arith.cmpi slt, %add3A_60, %lt3A : i32
        %convert_element_type3A_62 = arith.extui %lt3A_61 : i1 to i32
        %cond3A_63 = arith.constant 0 : i32
        %cond3A_64 = arith.cmpi ne, %convert_element_type3A_62, %cond3A_63 : i32
        scf.if %cond3A_64 {
          %add3A_75 = arith.constant 1 : i32
          %add3A_76 = arith.addi %scan3A_39, %add3A_75 : i32
          %dma_start3A_77 = arith.constant 0 : i32
          %dma_start3A_78 = arith.constant 0 : i32
          %dma_start3A_79 = tpu.memref_slice %arg9[%rem3A_44, %dma_start3A_77, %dma_start3A_78] : memref<2x128x64xf32, #tpu.memory_space<vmem>> -> memref<1x128x64xf32, #tpu.memory_space<vmem>>
          %dma_start3A_80 = tpu.memref_squeeze %dma_start3A_79 : memref<1x128x64xf32, #tpu.memory_space<vmem>> -> memref<128x64xf32, #tpu.memory_space<vmem>>
          %dma_start3A_81 = arith.constant 0 : i32
          %dma_start3A_82 = tpu.memref_slice %arg7[%add3A_76, %dma_start3A_81] : memref<100x128xi32, #tpu.memory_space<vmem>> -> memref<1x128xi32, #tpu.memory_space<vmem>>
          %dma_start3A_83 = tpu.memref_squeeze %dma_start3A_82 : memref<1x128xi32, #tpu.memory_space<vmem>> -> memref<128xi32, #tpu.memory_space<vmem>>
          %dma_start3A_84 = arith.constant 0 : i32
          %dma_start3A_85 = arith.constant 0 : i32
          %dma_start3A_86 = tpu.memref_slice %arg2[%dma_start3A_84, %dma_start3A_85] : memref<10240x64xf32, #tpu.memory_space<hbm>> -> memref<10240x64xf32, #tpu.memory_space<hbm>>
          tpu.enqueue_indirect_dma source(%dma_start3A_86 : memref<10240x64xf32, #tpu.memory_space<hbm>>) target(%dma_start3A_80 : memref<128x64xf32, #tpu.memory_space<vmem>>) offsets(%dma_start3A_83 : memref<128xi32, #tpu.memory_space<vmem>>) semaphore(%arg11 : memref<!tpu.dma_semaphore, #tpu.memory_space<semaphore_mem>>)
        } else {
        }
        %dma_start3A_65 = arith.constant 0 : i32
        %dma_start3A_66 = arith.constant 0 : i32
        %dma_start3A_67 = tpu.memref_slice %arg9[%rem3A_41, %dma_start3A_65, %dma_start3A_66] : memref<2x128x64xf32, #tpu.memory_space<vmem>> -> memref<1x128x64xf32, #tpu.memory_space<vmem>>
        %dma_start3A_68 = tpu.memref_squeeze %dma_start3A_67 : memref<1x128x64xf32, #tpu.memory_space<vmem>> -> memref<128x64xf32, #tpu.memory_space<vmem>>
        %dma_start3A_69 = arith.constant 0 : i32
        %dma_start3A_70 = tpu.memref_slice %arg8[%scan3A_39, %dma_start3A_69] : memref<100x128xi32, #tpu.memory_space<vmem>> -> memref<1x128xi32, #tpu.memory_space<vmem>>
        %dma_start3A_71 = tpu.memref_squeeze %dma_start3A_70 : memref<1x128xi32, #tpu.memory_space<vmem>> -> memref<128xi32, #tpu.memory_space<vmem>>
        %dma_start3A_72 = arith.constant 0 : i32
        %dma_start3A_73 = arith.constant 0 : i32
        %dma_start3A_74 = tpu.memref_slice %arg10[%dma_start3A_72, %dma_start3A_73] : memref<10240x64xf32, #tpu.memory_space<vmem_shared>> -> memref<10240x64xf32, #tpu.memory_space<vmem_shared>>
        tpu.enqueue_indirect_dma source(%dma_start3A_68 : memref<128x64xf32, #tpu.memory_space<vmem>>) target(%dma_start3A_74 : memref<10240x64xf32, #tpu.memory_space<vmem_shared>>) offsets(%dma_start3A_71 : memref<128xi32, #tpu.memory_space<vmem>>) semaphore(%arg12 : memref<!tpu.dma_semaphore, #tpu.memory_space<semaphore_mem>>) {add = true}
      }
      %scan3A_25 = arith.constant 57 : i32
      %rem3A = arith.constant 56 : i32
      %rem3A_26 = arith.constant 2 : i32
      %rem3A_27 = arith.remsi %rem3A, %rem3A_26 : i32
      %dma_wait3A = arith.constant 56 : i32
      %dma_wait3A_28 = arith.constant 0 : i32
      %dma_wait3A_29 = arith.constant 0 : i32
      %dma_wait3A_30 = tpu.memref_slice %arg9[%rem3A_27, %dma_wait3A_28, %dma_wait3A_29] : memref<2x128x64xf32, #tpu.memory_space<vmem>> -> memref<1x128x64xf32, #tpu.memory_space<vmem>>
      %dma_wait3A_31 = tpu.memref_squeeze %dma_wait3A_30 : memref<1x128x64xf32, #tpu.memory_space<vmem>> -> memref<128x64xf32, #tpu.memory_space<vmem>>
      %dma_wait3A_32 = arith.constant 0 : i32
      %dma_wait3A_33 = tpu.memref_slice %arg8[%dma_wait3A, %dma_wait3A_32] : memref<100x128xi32, #tpu.memory_space<vmem>> -> memref<1x128xi32, #tpu.memory_space<vmem>>
      %dma_wait3A_34 = tpu.memref_squeeze %dma_wait3A_33 : memref<1x128xi32, #tpu.memory_space<vmem>> -> memref<128xi32, #tpu.memory_space<vmem>>
      %dma_wait3A_35 = arith.constant 0 : i32
      %dma_wait3A_36 = arith.constant 0 : i32
      %dma_wait3A_37 = tpu.memref_slice %arg10[%dma_wait3A_35, %dma_wait3A_36] : memref<10240x64xf32, #tpu.memory_space<vmem_shared>> -> memref<10240x64xf32, #tpu.memory_space<vmem_shared>>
      tpu.wait_indirect_dma semaphore(%arg12 : memref<!tpu.dma_semaphore, #tpu.memory_space<semaphore_mem>>) src(%dma_wait3A_31 : memref<128x64xf32, #tpu.memory_space<vmem>>) dst(%dma_wait3A_37 : memref<10240x64xf32, #tpu.memory_space<vmem_shared>>)
      %barrier3A_38 = arith.constant 0 : index
      tpu.barrier barrier_id(%barrier3A_38)
      "tpu.region"() ({
        %run_scoped3A = tpu.sem_alloc : memref<!tpu.dma_semaphore, #tpu.memory_space<semaphore_mem>>
        %dma_start3A_39 = arith.constant 0 : i32
        %dma_start3A_40 = tpu.memref_slice %arg6[%arg0, %mul3A_0, %dma_start3A_39] : memref<2x10240x64xf32, #tpu.memory_space<hbm>> -> memref<1x640x64xf32, #tpu.memory_space<hbm>>
        %dma_start3A_41 = tpu.memref_squeeze %dma_start3A_40 : memref<1x640x64xf32, #tpu.memory_space<hbm>> -> memref<640x64xf32, #tpu.memory_space<hbm>>
        %dma_start3A_42 = arith.constant 0 : i32
        %dma_start3A_43 = tpu.memref_slice %arg10[%mul3A_0, %dma_start3A_42] : memref<10240x64xf32, #tpu.memory_space<vmem_shared>> -> memref<640x64xf32, #tpu.memory_space<vmem_shared>>
        tpu.enqueue_dma source(%dma_start3A_43 : memref<640x64xf32, #tpu.memory_space<vmem_shared>>) target(%dma_start3A_41 : memref<640x64xf32, #tpu.memory_space<hbm>>) target_semaphore(%run_scoped3A : memref<!tpu.dma_semaphore, #tpu.memory_space<semaphore_mem>>)
        %dma_wait3A_44 = arith.constant 0 : i32
        %dma_wait3A_45 = tpu.memref_slice %arg6[%arg0, %mul3A_0, %dma_wait3A_44] : memref<2x10240x64xf32, #tpu.memory_space<hbm>> -> memref<1x640x64xf32, #tpu.memory_space<hbm>>
        %dma_wait3A_46 = tpu.memref_squeeze %dma_wait3A_45 : memref<1x640x64xf32, #tpu.memory_space<hbm>> -> memref<640x64xf32, #tpu.memory_space<hbm>>
        %dma_wait3A_47 = arith.constant 0 : i32
        %dma_wait3A_48 = tpu.memref_slice %arg10[%mul3A_0, %dma_wait3A_47] : memref<10240x64xf32, #tpu.memory_space<vmem_shared>> -> memref<640x64xf32, #tpu.memory_space<vmem_shared>>
        tpu.wait_dma2 semaphore(%run_scoped3A : memref<!tpu.dma_semaphore, #tpu.memory_space<semaphore_mem>>) src(%dma_wait3A_48 : memref<640x64xf32, #tpu.memory_space<vmem_shared>>) dst(%dma_wait3A_46 : memref<640x64xf32, #tpu.memory_space<hbm>>)
        tpu.yield
      }) : () -> ()
    } else {
    }
    %eq3A_3 = arith.constant 1 : i32
    %eq3A_4 = arith.cmpi eq, %arg0, %eq3A_3 : i32
    %convert_element_type3A_5 = arith.extui %eq3A_4 : i1 to i32
    %cond3A_6 = arith.constant 0 : i32
    %cond3A_7 = arith.cmpi ne, %convert_element_type3A_5, %cond3A_6 : i32
    scf.if %cond3A_7 {
      %mul3A_8 = arith.constant 100 : i32
      %mul3A_9 = arith.muli %arg1, %mul3A_8 : i32
      %add3A = arith.constant 912 : i32
      %add3A_10 = arith.addi %add3A, %mul3A_9 : i32
      "tpu.region"() ({
        %run_scoped3A = tpu.sem_alloc : memref<!tpu.dma_semaphore, #tpu.memory_space<semaphore_mem>>
        %dma_start3A_40 = arith.constant 0 : i32
        %dma_start3A_41 = arith.constant 0 : i32
        %dma_start3A_42 = tpu.memref_slice %arg7[%dma_start3A_40, %dma_start3A_41] : memref<100x128xi32, #tpu.memory_space<vmem>> -> memref<100x128xi32, #tpu.memory_space<vmem>>
        %dma_start3A_43 = arith.constant 0 : i32
        %dma_start3A_44 = tpu.memref_slice %arg3[%add3A_10, %dma_start3A_43] : memref<2512x128xi32, #tpu.memory_space<hbm>> -> memref<100x128xi32, #tpu.memory_space<hbm>>
        %dma_start3A_45 = arith.constant 0 : i32
        %dma_start3A_46 = arith.constant 0 : i32
        %dma_start3A_47 = tpu.memref_slice %arg7[%dma_start3A_45, %dma_start3A_46] : memref<100x128xi32, #tpu.memory_space<vmem>> -> memref<100x128xi32, #tpu.memory_space<vmem>>
        %dma_start3A_48 = arith.constant 0 : i32
        %dma_start3A_49 = tpu.memref_slice %arg3[%add3A_10, %dma_start3A_48] : memref<2512x128xi32, #tpu.memory_space<hbm>> -> memref<100x128xi32, #tpu.memory_space<hbm>>
        tpu.enqueue_dma source(%dma_start3A_49 : memref<100x128xi32, #tpu.memory_space<hbm>>) target(%dma_start3A_47 : memref<100x128xi32, #tpu.memory_space<vmem>>) target_semaphore(%run_scoped3A : memref<!tpu.dma_semaphore, #tpu.memory_space<semaphore_mem>>)
        %dma_wait3A_50 = arith.constant 0 : i32
        %dma_wait3A_51 = arith.constant 0 : i32
        %dma_wait3A_52 = tpu.memref_slice %arg7[%dma_wait3A_50, %dma_wait3A_51] : memref<100x128xi32, #tpu.memory_space<vmem>> -> memref<100x128xi32, #tpu.memory_space<vmem>>
        %dma_wait3A_53 = arith.constant 0 : i32
        %dma_wait3A_54 = tpu.memref_slice %arg3[%add3A_10, %dma_wait3A_53] : memref<2512x128xi32, #tpu.memory_space<hbm>> -> memref<100x128xi32, #tpu.memory_space<hbm>>
        %dma_wait3A_55 = arith.constant 0 : i32
        %dma_wait3A_56 = arith.constant 0 : i32
        %dma_wait3A_57 = tpu.memref_slice %arg7[%dma_wait3A_55, %dma_wait3A_56] : memref<100x128xi32, #tpu.memory_space<vmem>> -> memref<100x128xi32, #tpu.memory_space<vmem>>
        %dma_wait3A_58 = arith.constant 0 : i32
        %dma_wait3A_59 = tpu.memref_slice %arg3[%add3A_10, %dma_wait3A_58] : memref<2512x128xi32, #tpu.memory_space<hbm>> -> memref<100x128xi32, #tpu.memory_space<hbm>>
        tpu.wait_dma2 semaphore(%run_scoped3A : memref<!tpu.dma_semaphore, #tpu.memory_space<semaphore_mem>>) src(%dma_wait3A_59 : memref<100x128xi32, #tpu.memory_space<hbm>>) dst(%dma_wait3A_57 : memref<100x128xi32, #tpu.memory_space<vmem>>)
        tpu.yield
      }) : () -> ()
      "tpu.region"() ({
        %run_scoped3A = tpu.sem_alloc : memref<!tpu.dma_semaphore, #tpu.memory_space<semaphore_mem>>
        %dma_start3A_40 = arith.constant 0 : i32
        %dma_start3A_41 = arith.constant 0 : i32
        %dma_start3A_42 = tpu.memref_slice %arg8[%dma_start3A_40, %dma_start3A_41] : memref<100x128xi32, #tpu.memory_space<vmem>> -> memref<100x128xi32, #tpu.memory_space<vmem>>
        %dma_start3A_43 = arith.constant 0 : i32
        %dma_start3A_44 = tpu.memref_slice %arg4[%add3A_10, %dma_start3A_43] : memref<2512x128xi32, #tpu.memory_space<hbm>> -> memref<100x128xi32, #tpu.memory_space<hbm>>
        %dma_start3A_45 = arith.constant 0 : i32
        %dma_start3A_46 = arith.constant 0 : i32
        %dma_start3A_47 = tpu.memref_slice %arg8[%dma_start3A_45, %dma_start3A_46] : memref<100x128xi32, #tpu.memory_space<vmem>> -> memref<100x128xi32, #tpu.memory_space<vmem>>
        %dma_start3A_48 = arith.constant 0 : i32
        %dma_start3A_49 = tpu.memref_slice %arg4[%add3A_10, %dma_start3A_48] : memref<2512x128xi32, #tpu.memory_space<hbm>> -> memref<100x128xi32, #tpu.memory_space<hbm>>
        tpu.enqueue_dma source(%dma_start3A_49 : memref<100x128xi32, #tpu.memory_space<hbm>>) target(%dma_start3A_47 : memref<100x128xi32, #tpu.memory_space<vmem>>) target_semaphore(%run_scoped3A : memref<!tpu.dma_semaphore, #tpu.memory_space<semaphore_mem>>)
        %dma_wait3A_50 = arith.constant 0 : i32
        %dma_wait3A_51 = arith.constant 0 : i32
        %dma_wait3A_52 = tpu.memref_slice %arg8[%dma_wait3A_50, %dma_wait3A_51] : memref<100x128xi32, #tpu.memory_space<vmem>> -> memref<100x128xi32, #tpu.memory_space<vmem>>
        %dma_wait3A_53 = arith.constant 0 : i32
        %dma_wait3A_54 = tpu.memref_slice %arg4[%add3A_10, %dma_wait3A_53] : memref<2512x128xi32, #tpu.memory_space<hbm>> -> memref<100x128xi32, #tpu.memory_space<hbm>>
        %dma_wait3A_55 = arith.constant 0 : i32
        %dma_wait3A_56 = arith.constant 0 : i32
        %dma_wait3A_57 = tpu.memref_slice %arg8[%dma_wait3A_55, %dma_wait3A_56] : memref<100x128xi32, #tpu.memory_space<vmem>> -> memref<100x128xi32, #tpu.memory_space<vmem>>
        %dma_wait3A_58 = arith.constant 0 : i32
        %dma_wait3A_59 = tpu.memref_slice %arg4[%add3A_10, %dma_wait3A_58] : memref<2512x128xi32, #tpu.memory_space<hbm>> -> memref<100x128xi32, #tpu.memory_space<hbm>>
        tpu.wait_dma2 semaphore(%run_scoped3A : memref<!tpu.dma_semaphore, #tpu.memory_space<semaphore_mem>>) src(%dma_wait3A_59 : memref<100x128xi32, #tpu.memory_space<hbm>>) dst(%dma_wait3A_57 : memref<100x128xi32, #tpu.memory_space<vmem>>)
        tpu.yield
      }) : () -> ()
      %barrier3A = arith.constant 0 : index
      tpu.barrier barrier_id(%barrier3A)
      %dma_start3A = arith.constant 0 : i32
      %dma_start3A_11 = arith.constant 0 : i32
      %dma_start3A_12 = arith.constant 0 : i32
      %dma_start3A_13 = arith.constant 0 : i32
      %dma_start3A_14 = tpu.memref_slice %arg9[%dma_start3A_11, %dma_start3A_12, %dma_start3A_13] : memref<2x128x64xf32, #tpu.memory_space<vmem>> -> memref<1x128x64xf32, #tpu.memory_space<vmem>>
      %dma_start3A_15 = tpu.memref_squeeze %dma_start3A_14 : memref<1x128x64xf32, #tpu.memory_space<vmem>> -> memref<128x64xf32, #tpu.memory_space<vmem>>
      %dma_start3A_16 = arith.constant 0 : i32
      %dma_start3A_17 = tpu.memref_slice %arg7[%dma_start3A, %dma_start3A_16] : memref<100x128xi32, #tpu.memory_space<vmem>> -> memref<1x128xi32, #tpu.memory_space<vmem>>
      %dma_start3A_18 = tpu.memref_squeeze %dma_start3A_17 : memref<1x128xi32, #tpu.memory_space<vmem>> -> memref<128xi32, #tpu.memory_space<vmem>>
      %dma_start3A_19 = arith.constant 0 : i32
      %dma_start3A_20 = arith.constant 0 : i32
      %dma_start3A_21 = tpu.memref_slice %arg2[%dma_start3A_19, %dma_start3A_20] : memref<10240x64xf32, #tpu.memory_space<hbm>> -> memref<10240x64xf32, #tpu.memory_space<hbm>>
      tpu.enqueue_indirect_dma source(%dma_start3A_21 : memref<10240x64xf32, #tpu.memory_space<hbm>>) target(%dma_start3A_15 : memref<128x64xf32, #tpu.memory_space<vmem>>) offsets(%dma_start3A_18 : memref<128xi32, #tpu.memory_space<vmem>>) semaphore(%arg11 : memref<!tpu.dma_semaphore, #tpu.memory_space<semaphore_mem>>)
      %scan3A = arith.constant 0 : i32
      %scan3A_22 = arith.constant 0 : i32
      %scan3A_23 = arith.constant 100 : i32
      %scan3A_24 = arith.addi %scan3A_22, %scan3A_23 : i32
      %scan3A_25 = arith.constant 1 : i32
      scf.for %scan3A_40 = %scan3A_22 to %scan3A_24 step %scan3A_25  : i32 {
        %rem3A_41 = arith.constant 2 : i32
        %rem3A_42 = arith.remsi %scan3A_40, %rem3A_41 : i32
        %add3A_43 = arith.constant 1 : i32
        %add3A_44 = arith.addi %scan3A_40, %add3A_43 : i32
        %rem3A_45 = arith.constant 2 : i32
        %rem3A_46 = arith.remsi %add3A_44, %rem3A_45 : i32
        %dma_wait3A_47 = arith.constant 0 : i32
        %dma_wait3A_48 = arith.constant 0 : i32
        %dma_wait3A_49 = tpu.memref_slice %arg9[%rem3A_42, %dma_wait3A_47, %dma_wait3A_48] : memref<2x128x64xf32, #tpu.memory_space<vmem>> -> memref<1x128x64xf32, #tpu.memory_space<vmem>>
        %dma_wait3A_50 = tpu.memref_squeeze %dma_wait3A_49 : memref<1x128x64xf32, #tpu.memory_space<vmem>> -> memref<128x64xf32, #tpu.memory_space<vmem>>
        %dma_wait3A_51 = arith.constant 0 : i32
        %dma_wait3A_52 = tpu.memref_slice %arg7[%scan3A_40, %dma_wait3A_51] : memref<100x128xi32, #tpu.memory_space<vmem>> -> memref<1x128xi32, #tpu.memory_space<vmem>>
        %dma_wait3A_53 = tpu.memref_squeeze %dma_wait3A_52 : memref<1x128xi32, #tpu.memory_space<vmem>> -> memref<128xi32, #tpu.memory_space<vmem>>
        %dma_wait3A_54 = arith.constant 0 : i32
        %dma_wait3A_55 = arith.constant 0 : i32
        %dma_wait3A_56 = tpu.memref_slice %arg2[%dma_wait3A_54, %dma_wait3A_55] : memref<10240x64xf32, #tpu.memory_space<hbm>> -> memref<10240x64xf32, #tpu.memory_space<hbm>>
        tpu.wait_indirect_dma semaphore(%arg11 : memref<!tpu.dma_semaphore, #tpu.memory_space<semaphore_mem>>) src(%dma_wait3A_56 : memref<10240x64xf32, #tpu.memory_space<hbm>>) dst(%dma_wait3A_50 : memref<128x64xf32, #tpu.memory_space<vmem>>)
        %ge3A = arith.constant 1 : i32
        %ge3A_57 = arith.cmpi sge, %scan3A_40, %ge3A : i32
        %convert_element_type3A_58 = arith.extui %ge3A_57 : i1 to i32
        %cond3A_59 = arith.constant 0 : i32
        %cond3A_60 = arith.cmpi ne, %convert_element_type3A_58, %cond3A_59 : i32
        scf.if %cond3A_60 {
          %sub3A = arith.constant 1 : i32
          %sub3A_77 = arith.subi %scan3A_40, %sub3A : i32
          %dma_wait3A_78 = arith.constant 0 : i32
          %dma_wait3A_79 = arith.constant 0 : i32
          %dma_wait3A_80 = tpu.memref_slice %arg9[%rem3A_46, %dma_wait3A_78, %dma_wait3A_79] : memref<2x128x64xf32, #tpu.memory_space<vmem>> -> memref<1x128x64xf32, #tpu.memory_space<vmem>>
          %dma_wait3A_81 = tpu.memref_squeeze %dma_wait3A_80 : memref<1x128x64xf32, #tpu.memory_space<vmem>> -> memref<128x64xf32, #tpu.memory_space<vmem>>
          %dma_wait3A_82 = arith.constant 0 : i32
          %dma_wait3A_83 = tpu.memref_slice %arg8[%sub3A_77, %dma_wait3A_82] : memref<100x128xi32, #tpu.memory_space<vmem>> -> memref<1x128xi32, #tpu.memory_space<vmem>>
          %dma_wait3A_84 = tpu.memref_squeeze %dma_wait3A_83 : memref<1x128xi32, #tpu.memory_space<vmem>> -> memref<128xi32, #tpu.memory_space<vmem>>
          %dma_wait3A_85 = arith.constant 0 : i32
          %dma_wait3A_86 = arith.constant 0 : i32
          %dma_wait3A_87 = tpu.memref_slice %arg10[%dma_wait3A_85, %dma_wait3A_86] : memref<10240x64xf32, #tpu.memory_space<vmem_shared>> -> memref<10240x64xf32, #tpu.memory_space<vmem_shared>>
          tpu.wait_indirect_dma semaphore(%arg12 : memref<!tpu.dma_semaphore, #tpu.memory_space<semaphore_mem>>) src(%dma_wait3A_81 : memref<128x64xf32, #tpu.memory_space<vmem>>) dst(%dma_wait3A_87 : memref<10240x64xf32, #tpu.memory_space<vmem_shared>>)
        } else {
        }
        %add3A_61 = arith.constant 1 : i32
        %add3A_62 = arith.addi %scan3A_40, %add3A_61 : i32
        %lt3A = arith.constant 100 : i32
        %lt3A_63 = arith.cmpi slt, %add3A_62, %lt3A : i32
        %convert_element_type3A_64 = arith.extui %lt3A_63 : i1 to i32
        %cond3A_65 = arith.constant 0 : i32
        %cond3A_66 = arith.cmpi ne, %convert_element_type3A_64, %cond3A_65 : i32
        scf.if %cond3A_66 {
          %add3A_77 = arith.constant 1 : i32
          %add3A_78 = arith.addi %scan3A_40, %add3A_77 : i32
          %dma_start3A_79 = arith.constant 0 : i32
          %dma_start3A_80 = arith.constant 0 : i32
          %dma_start3A_81 = tpu.memref_slice %arg9[%rem3A_46, %dma_start3A_79, %dma_start3A_80] : memref<2x128x64xf32, #tpu.memory_space<vmem>> -> memref<1x128x64xf32, #tpu.memory_space<vmem>>
          %dma_start3A_82 = tpu.memref_squeeze %dma_start3A_81 : memref<1x128x64xf32, #tpu.memory_space<vmem>> -> memref<128x64xf32, #tpu.memory_space<vmem>>
          %dma_start3A_83 = arith.constant 0 : i32
          %dma_start3A_84 = tpu.memref_slice %arg7[%add3A_78, %dma_start3A_83] : memref<100x128xi32, #tpu.memory_space<vmem>> -> memref<1x128xi32, #tpu.memory_space<vmem>>
          %dma_start3A_85 = tpu.memref_squeeze %dma_start3A_84 : memref<1x128xi32, #tpu.memory_space<vmem>> -> memref<128xi32, #tpu.memory_space<vmem>>
          %dma_start3A_86 = arith.constant 0 : i32
          %dma_start3A_87 = arith.constant 0 : i32
          %dma_start3A_88 = tpu.memref_slice %arg2[%dma_start3A_86, %dma_start3A_87] : memref<10240x64xf32, #tpu.memory_space<hbm>> -> memref<10240x64xf32, #tpu.memory_space<hbm>>
          tpu.enqueue_indirect_dma source(%dma_start3A_88 : memref<10240x64xf32, #tpu.memory_space<hbm>>) target(%dma_start3A_82 : memref<128x64xf32, #tpu.memory_space<vmem>>) offsets(%dma_start3A_85 : memref<128xi32, #tpu.memory_space<vmem>>) semaphore(%arg11 : memref<!tpu.dma_semaphore, #tpu.memory_space<semaphore_mem>>)
        } else {
        }
        %dma_start3A_67 = arith.constant 0 : i32
        %dma_start3A_68 = arith.constant 0 : i32
        %dma_start3A_69 = tpu.memref_slice %arg9[%rem3A_42, %dma_start3A_67, %dma_start3A_68] : memref<2x128x64xf32, #tpu.memory_space<vmem>> -> memref<1x128x64xf32, #tpu.memory_space<vmem>>
        %dma_start3A_70 = tpu.memref_squeeze %dma_start3A_69 : memref<1x128x64xf32, #tpu.memory_space<vmem>> -> memref<128x64xf32, #tpu.memory_space<vmem>>
        %dma_start3A_71 = arith.constant 0 : i32
        %dma_start3A_72 = tpu.memref_slice %arg8[%scan3A_40, %dma_start3A_71] : memref<100x128xi32, #tpu.memory_space<vmem>> -> memref<1x128xi32, #tpu.memory_space<vmem>>
        %dma_start3A_73 = tpu.memref_squeeze %dma_start3A_72 : memref<1x128xi32, #tpu.memory_space<vmem>> -> memref<128xi32, #tpu.memory_space<vmem>>
        %dma_start3A_74 = arith.constant 0 : i32
        %dma_start3A_75 = arith.constant 0 : i32
        %dma_start3A_76 = tpu.memref_slice %arg10[%dma_start3A_74, %dma_start3A_75] : memref<10240x64xf32, #tpu.memory_space<vmem_shared>> -> memref<10240x64xf32, #tpu.memory_space<vmem_shared>>
        tpu.enqueue_indirect_dma source(%dma_start3A_70 : memref<128x64xf32, #tpu.memory_space<vmem>>) target(%dma_start3A_76 : memref<10240x64xf32, #tpu.memory_space<vmem_shared>>) offsets(%dma_start3A_73 : memref<128xi32, #tpu.memory_space<vmem>>) semaphore(%arg12 : memref<!tpu.dma_semaphore, #tpu.memory_space<semaphore_mem>>) {add = true}
      }
      %scan3A_26 = arith.constant 100 : i32
      %rem3A = arith.constant 99 : i32
      %rem3A_27 = arith.constant 2 : i32
      %rem3A_28 = arith.remsi %rem3A, %rem3A_27 : i32
      %dma_wait3A = arith.constant 99 : i32
      %dma_wait3A_29 = arith.constant 0 : i32
      %dma_wait3A_30 = arith.constant 0 : i32
      %dma_wait3A_31 = tpu.memref_slice %arg9[%rem3A_28, %dma_wait3A_29, %dma_wait3A_30] : memref<2x128x64xf32, #tpu.memory_space<vmem>> -> memref<1x128x64xf32, #tpu.memory_space<vmem>>
      %dma_wait3A_32 = tpu.memref_squeeze %dma_wait3A_31 : memref<1x128x64xf32, #tpu.memory_space<vmem>> -> memref<128x64xf32, #tpu.memory_space<vmem>>
      %dma_wait3A_33 = arith.constant 0 : i32
      %dma_wait3A_34 = tpu.memref_slice %arg8[%dma_wait3A, %dma_wait3A_33] : memref<100x128xi32, #tpu.memory_space<vmem>> -> memref<1x128xi32, #tpu.memory_space<vmem>>
      %dma_wait3A_35 = tpu.memref_squeeze %dma_wait3A_34 : memref<1x128xi32, #tpu.memory_space<vmem>> -> memref<128xi32, #tpu.memory_space<vmem>>
      %dma_wait3A_36 = arith.constant 0 : i32
      %dma_wait3A_37 = arith.constant 0 : i32
      %dma_wait3A_38 = tpu.memref_slice %arg10[%dma_wait3A_36, %dma_wait3A_37] : memref<10240x64xf32, #tpu.memory_space<vmem_shared>> -> memref<10240x64xf32, #tpu.memory_space<vmem_shared>>
      tpu.wait_indirect_dma semaphore(%arg12 : memref<!tpu.dma_semaphore, #tpu.memory_space<semaphore_mem>>) src(%dma_wait3A_32 : memref<128x64xf32, #tpu.memory_space<vmem>>) dst(%dma_wait3A_38 : memref<10240x64xf32, #tpu.memory_space<vmem_shared>>)
      %barrier3A_39 = arith.constant 0 : index
      tpu.barrier barrier_id(%barrier3A_39)
      "tpu.region"() ({
        %run_scoped3A = tpu.sem_alloc : memref<!tpu.dma_semaphore, #tpu.memory_space<semaphore_mem>>
        %dma_start3A_40 = arith.constant 0 : i32
        %dma_start3A_41 = tpu.memref_slice %arg6[%arg0, %mul3A_0, %dma_start3A_40] : memref<2x10240x64xf32, #tpu.memory_space<hbm>> -> memref<1x640x64xf32, #tpu.memory_space<hbm>>
        %dma_start3A_42 = tpu.memref_squeeze %dma_start3A_41 : memref<1x640x64xf32, #tpu.memory_space<hbm>> -> memref<640x64xf32, #tpu.memory_space<hbm>>
        %dma_start3A_43 = arith.constant 0 : i32
        %dma_start3A_44 = tpu.memref_slice %arg10[%mul3A_0, %dma_start3A_43] : memref<10240x64xf32, #tpu.memory_space<vmem_shared>> -> memref<640x64xf32, #tpu.memory_space<vmem_shared>>
        tpu.enqueue_dma source(%dma_start3A_44 : memref<640x64xf32, #tpu.memory_space<vmem_shared>>) target(%dma_start3A_42 : memref<640x64xf32, #tpu.memory_space<hbm>>) target_semaphore(%run_scoped3A : memref<!tpu.dma_semaphore, #tpu.memory_space<semaphore_mem>>)
        %dma_wait3A_45 = arith.constant 0 : i32
        %dma_wait3A_46 = tpu.memref_slice %arg6[%arg0, %mul3A_0, %dma_wait3A_45] : memref<2x10240x64xf32, #tpu.memory_space<hbm>> -> memref<1x640x64xf32, #tpu.memory_space<hbm>>
        %dma_wait3A_47 = tpu.memref_squeeze %dma_wait3A_46 : memref<1x640x64xf32, #tpu.memory_space<hbm>> -> memref<640x64xf32, #tpu.memory_space<hbm>>
        %dma_wait3A_48 = arith.constant 0 : i32
        %dma_wait3A_49 = tpu.memref_slice %arg10[%mul3A_0, %dma_wait3A_48] : memref<10240x64xf32, #tpu.memory_space<vmem_shared>> -> memref<640x64xf32, #tpu.memory_space<vmem_shared>>
        tpu.wait_dma2 semaphore(%run_scoped3A : memref<!tpu.dma_semaphore, #tpu.memory_space<semaphore_mem>>) src(%dma_wait3A_49 : memref<640x64xf32, #tpu.memory_space<vmem_shared>>) dst(%dma_wait3A_47 : memref<640x64xf32, #tpu.memory_space<hbm>>)
        tpu.yield
      }) : () -> ()
    } else {
    }
    return
  }
}

#map = affine_map<(d0, d1) -> (0, 0)>
#map1 = affine_map<(d0, d1) -> (0, 0, 0)>
module attributes {stable_mosaic.version = 14 : i64} {
  func.func @body(%arg0: i32, %arg1: i32, %arg2: memref<10240x80xf32, #tpu.memory_space<hbm>>, %arg3: memref<2512x128xi32, #tpu.memory_space<hbm>>, %arg4: memref<2512x128xi32, #tpu.memory_space<hbm>>, %arg5: memref<640x80xf32, #tpu.memory_space<hbm>>, %arg6: memref<2x10240x80xf32, #tpu.memory_space<hbm>>, %arg7: memref<100x128xi32, #tpu.memory_space<vmem>>, %arg8: memref<100x128xi32, #tpu.memory_space<vmem>>, %arg9: memref<2x128x80xf32, #tpu.memory_space<vmem>>, %arg10: memref<10240x80xf32, #tpu.memory_space<vmem_shared>>, %arg11: memref<!tpu.dma_semaphore, #tpu.memory_space<semaphore_mem>>, %arg12: memref<!tpu.dma_semaphore, #tpu.memory_space<semaphore_mem>>) attributes {dimension_semantics = [#tpu.dimension_semantics<core_parallel>, #tpu.dimension_semantics<subcore_parallel>], iteration_bounds = array<i64: 2, 16>, scalar_prefetch = 0 : i64, scratch_operands = 6 : i64, tpu.core_type = #tpu.core_type<sc_vector_subcore>, window_params = [{transform_indices = #map}, {transform_indices = #map}, {transform_indices = #map}, {transform_indices = #map}, {transform_indices = #map1}]} {
    %mul3A = arith.constant 640 : i32
    %mul3A_0 = arith.muli %arg1, %mul3A : i32
    "tpu.region"() ({
      %run_scoped3A = tpu.sem_alloc : memref<!tpu.dma_semaphore, #tpu.memory_space<semaphore_mem>>
      %dma_start3A = arith.constant 0 : i32
      %dma_start3A_8 = tpu.memref_slice %arg10[%mul3A_0, %dma_start3A] : memref<10240x80xf32, #tpu.memory_space<vmem_shared>> -> memref<640x80xf32, #tpu.memory_space<vmem_shared>>
      tpu.enqueue_dma source(%arg5 : memref<640x80xf32, #tpu.memory_space<hbm>>) target(%dma_start3A_8 : memref<640x80xf32, #tpu.memory_space<vmem_shared>>) target_semaphore(%run_scoped3A : memref<!tpu.dma_semaphore, #tpu.memory_space<semaphore_mem>>)
      %dma_wait3A = arith.constant 0 : i32
      %dma_wait3A_9 = tpu.memref_slice %arg10[%mul3A_0, %dma_wait3A] : memref<10240x80xf32, #tpu.memory_space<vmem_shared>> -> memref<640x80xf32, #tpu.memory_space<vmem_shared>>
      tpu.wait_dma2 semaphore(%run_scoped3A : memref<!tpu.dma_semaphore, #tpu.memory_space<semaphore_mem>>) src(%arg5 : memref<640x80xf32, #tpu.memory_space<hbm>>) dst(%dma_wait3A_9 : memref<640x80xf32, #tpu.memory_space<vmem_shared>>)
      tpu.yield
    }) : () -> ()
    %eq3A = arith.constant 0 : i32
    %eq3A_1 = arith.cmpi eq, %arg0, %eq3A : i32
    %convert_element_type3A = arith.extui %eq3A_1 : i1 to i32
    %cond3A = arith.constant 0 : i32
    %cond3A_2 = arith.cmpi ne, %convert_element_type3A, %cond3A : i32
    scf.if %cond3A_2 {
      %mul3A_8 = arith.constant 57 : i32
      %mul3A_9 = arith.muli %arg1, %mul3A_8 : i32
      "tpu.region"() ({
        %run_scoped3A = tpu.sem_alloc : memref<!tpu.dma_semaphore, #tpu.memory_space<semaphore_mem>>
        %dma_start3A_39 = arith.constant 0 : i32
        %dma_start3A_40 = arith.constant 0 : i32
        %dma_start3A_41 = tpu.memref_slice %arg7[%dma_start3A_39, %dma_start3A_40] : memref<100x128xi32, #tpu.memory_space<vmem>> -> memref<57x128xi32, #tpu.memory_space<vmem>>
        %dma_start3A_42 = arith.constant 0 : i32
        %dma_start3A_43 = tpu.memref_slice %arg3[%mul3A_9, %dma_start3A_42] : memref<2512x128xi32, #tpu.memory_space<hbm>> -> memref<57x128xi32, #tpu.memory_space<hbm>>
        %dma_start3A_44 = arith.constant 0 : i32
        %dma_start3A_45 = arith.constant 0 : i32
        %dma_start3A_46 = tpu.memref_slice %arg7[%dma_start3A_44, %dma_start3A_45] : memref<100x128xi32, #tpu.memory_space<vmem>> -> memref<57x128xi32, #tpu.memory_space<vmem>>
        %dma_start3A_47 = arith.constant 0 : i32
        %dma_start3A_48 = tpu.memref_slice %arg3[%mul3A_9, %dma_start3A_47] : memref<2512x128xi32, #tpu.memory_space<hbm>> -> memref<57x128xi32, #tpu.memory_space<hbm>>
        tpu.enqueue_dma source(%dma_start3A_48 : memref<57x128xi32, #tpu.memory_space<hbm>>) target(%dma_start3A_46 : memref<57x128xi32, #tpu.memory_space<vmem>>) target_semaphore(%run_scoped3A : memref<!tpu.dma_semaphore, #tpu.memory_space<semaphore_mem>>)
        %dma_wait3A_49 = arith.constant 0 : i32
        %dma_wait3A_50 = arith.constant 0 : i32
        %dma_wait3A_51 = tpu.memref_slice %arg7[%dma_wait3A_49, %dma_wait3A_50] : memref<100x128xi32, #tpu.memory_space<vmem>> -> memref<57x128xi32, #tpu.memory_space<vmem>>
        %dma_wait3A_52 = arith.constant 0 : i32
        %dma_wait3A_53 = tpu.memref_slice %arg3[%mul3A_9, %dma_wait3A_52] : memref<2512x128xi32, #tpu.memory_space<hbm>> -> memref<57x128xi32, #tpu.memory_space<hbm>>
        %dma_wait3A_54 = arith.constant 0 : i32
        %dma_wait3A_55 = arith.constant 0 : i32
        %dma_wait3A_56 = tpu.memref_slice %arg7[%dma_wait3A_54, %dma_wait3A_55] : memref<100x128xi32, #tpu.memory_space<vmem>> -> memref<57x128xi32, #tpu.memory_space<vmem>>
        %dma_wait3A_57 = arith.constant 0 : i32
        %dma_wait3A_58 = tpu.memref_slice %arg3[%mul3A_9, %dma_wait3A_57] : memref<2512x128xi32, #tpu.memory_space<hbm>> -> memref<57x128xi32, #tpu.memory_space<hbm>>
        tpu.wait_dma2 semaphore(%run_scoped3A : memref<!tpu.dma_semaphore, #tpu.memory_space<semaphore_mem>>) src(%dma_wait3A_58 : memref<57x128xi32, #tpu.memory_space<hbm>>) dst(%dma_wait3A_56 : memref<57x128xi32, #tpu.memory_space<vmem>>)
        tpu.yield
      }) : () -> ()
      "tpu.region"() ({
        %run_scoped3A = tpu.sem_alloc : memref<!tpu.dma_semaphore, #tpu.memory_space<semaphore_mem>>
        %dma_start3A_39 = arith.constant 0 : i32
        %dma_start3A_40 = arith.constant 0 : i32
        %dma_start3A_41 = tpu.memref_slice %arg8[%dma_start3A_39, %dma_start3A_40] : memref<100x128xi32, #tpu.memory_space<vmem>> -> memref<57x128xi32, #tpu.memory_space<vmem>>
        %dma_start3A_42 = arith.constant 0 : i32
        %dma_start3A_43 = tpu.memref_slice %arg4[%mul3A_9, %dma_start3A_42] : memref<2512x128xi32, #tpu.memory_space<hbm>> -> memref<57x128xi32, #tpu.memory_space<hbm>>
        %dma_start3A_44 = arith.constant 0 : i32
        %dma_start3A_45 = arith.constant 0 : i32
        %dma_start3A_46 = tpu.memref_slice %arg8[%dma_start3A_44, %dma_start3A_45] : memref<100x128xi32, #tpu.memory_space<vmem>> -> memref<57x128xi32, #tpu.memory_space<vmem>>
        %dma_start3A_47 = arith.constant 0 : i32
        %dma_start3A_48 = tpu.memref_slice %arg4[%mul3A_9, %dma_start3A_47] : memref<2512x128xi32, #tpu.memory_space<hbm>> -> memref<57x128xi32, #tpu.memory_space<hbm>>
        tpu.enqueue_dma source(%dma_start3A_48 : memref<57x128xi32, #tpu.memory_space<hbm>>) target(%dma_start3A_46 : memref<57x128xi32, #tpu.memory_space<vmem>>) target_semaphore(%run_scoped3A : memref<!tpu.dma_semaphore, #tpu.memory_space<semaphore_mem>>)
        %dma_wait3A_49 = arith.constant 0 : i32
        %dma_wait3A_50 = arith.constant 0 : i32
        %dma_wait3A_51 = tpu.memref_slice %arg8[%dma_wait3A_49, %dma_wait3A_50] : memref<100x128xi32, #tpu.memory_space<vmem>> -> memref<57x128xi32, #tpu.memory_space<vmem>>
        %dma_wait3A_52 = arith.constant 0 : i32
        %dma_wait3A_53 = tpu.memref_slice %arg4[%mul3A_9, %dma_wait3A_52] : memref<2512x128xi32, #tpu.memory_space<hbm>> -> memref<57x128xi32, #tpu.memory_space<hbm>>
        %dma_wait3A_54 = arith.constant 0 : i32
        %dma_wait3A_55 = arith.constant 0 : i32
        %dma_wait3A_56 = tpu.memref_slice %arg8[%dma_wait3A_54, %dma_wait3A_55] : memref<100x128xi32, #tpu.memory_space<vmem>> -> memref<57x128xi32, #tpu.memory_space<vmem>>
        %dma_wait3A_57 = arith.constant 0 : i32
        %dma_wait3A_58 = tpu.memref_slice %arg4[%mul3A_9, %dma_wait3A_57] : memref<2512x128xi32, #tpu.memory_space<hbm>> -> memref<57x128xi32, #tpu.memory_space<hbm>>
        tpu.wait_dma2 semaphore(%run_scoped3A : memref<!tpu.dma_semaphore, #tpu.memory_space<semaphore_mem>>) src(%dma_wait3A_58 : memref<57x128xi32, #tpu.memory_space<hbm>>) dst(%dma_wait3A_56 : memref<57x128xi32, #tpu.memory_space<vmem>>)
        tpu.yield
      }) : () -> ()
      %barrier3A = arith.constant 0 : index
      tpu.barrier barrier_id(%barrier3A)
      %dma_start3A = arith.constant 0 : i32
      %dma_start3A_10 = arith.constant 0 : i32
      %dma_start3A_11 = arith.constant 0 : i32
      %dma_start3A_12 = arith.constant 0 : i32
      %dma_start3A_13 = tpu.memref_slice %arg9[%dma_start3A_10, %dma_start3A_11, %dma_start3A_12] : memref<2x128x80xf32, #tpu.memory_space<vmem>> -> memref<1x128x80xf32, #tpu.memory_space<vmem>>
      %dma_start3A_14 = tpu.memref_squeeze %dma_start3A_13 : memref<1x128x80xf32, #tpu.memory_space<vmem>> -> memref<128x80xf32, #tpu.memory_space<vmem>>
      %dma_start3A_15 = arith.constant 0 : i32
      %dma_start3A_16 = tpu.memref_slice %arg7[%dma_start3A, %dma_start3A_15] : memref<100x128xi32, #tpu.memory_space<vmem>> -> memref<1x128xi32, #tpu.memory_space<vmem>>
      %dma_start3A_17 = tpu.memref_squeeze %dma_start3A_16 : memref<1x128xi32, #tpu.memory_space<vmem>> -> memref<128xi32, #tpu.memory_space<vmem>>
      %dma_start3A_18 = arith.constant 0 : i32
      %dma_start3A_19 = arith.constant 0 : i32
      %dma_start3A_20 = tpu.memref_slice %arg2[%dma_start3A_18, %dma_start3A_19] : memref<10240x80xf32, #tpu.memory_space<hbm>> -> memref<10240x80xf32, #tpu.memory_space<hbm>>
      tpu.enqueue_indirect_dma source(%dma_start3A_20 : memref<10240x80xf32, #tpu.memory_space<hbm>>) target(%dma_start3A_14 : memref<128x80xf32, #tpu.memory_space<vmem>>) offsets(%dma_start3A_17 : memref<128xi32, #tpu.memory_space<vmem>>) semaphore(%arg11 : memref<!tpu.dma_semaphore, #tpu.memory_space<semaphore_mem>>)
      %scan3A = arith.constant 0 : i32
      %scan3A_21 = arith.constant 0 : i32
      %scan3A_22 = arith.constant 57 : i32
      %scan3A_23 = arith.addi %scan3A_21, %scan3A_22 : i32
      %scan3A_24 = arith.constant 1 : i32
      scf.for %scan3A_39 = %scan3A_21 to %scan3A_23 step %scan3A_24  : i32 {
        %rem3A_40 = arith.constant 2 : i32
        %rem3A_41 = arith.remsi %scan3A_39, %rem3A_40 : i32
        %add3A = arith.constant 1 : i32
        %add3A_42 = arith.addi %scan3A_39, %add3A : i32
        %rem3A_43 = arith.constant 2 : i32
        %rem3A_44 = arith.remsi %add3A_42, %rem3A_43 : i32
        %dma_wait3A_45 = arith.constant 0 : i32
        %dma_wait3A_46 = arith.constant 0 : i32
        %dma_wait3A_47 = tpu.memref_slice %arg9[%rem3A_41, %dma_wait3A_45, %dma_wait3A_46] : memref<2x128x80xf32, #tpu.memory_space<vmem>> -> memref<1x128x80xf32, #tpu.memory_space<vmem>>
        %dma_wait3A_48 = tpu.memref_squeeze %dma_wait3A_47 : memref<1x128x80xf32, #tpu.memory_space<vmem>> -> memref<128x80xf32, #tpu.memory_space<vmem>>
        %dma_wait3A_49 = arith.constant 0 : i32
        %dma_wait3A_50 = tpu.memref_slice %arg7[%scan3A_39, %dma_wait3A_49] : memref<100x128xi32, #tpu.memory_space<vmem>> -> memref<1x128xi32, #tpu.memory_space<vmem>>
        %dma_wait3A_51 = tpu.memref_squeeze %dma_wait3A_50 : memref<1x128xi32, #tpu.memory_space<vmem>> -> memref<128xi32, #tpu.memory_space<vmem>>
        %dma_wait3A_52 = arith.constant 0 : i32
        %dma_wait3A_53 = arith.constant 0 : i32
        %dma_wait3A_54 = tpu.memref_slice %arg2[%dma_wait3A_52, %dma_wait3A_53] : memref<10240x80xf32, #tpu.memory_space<hbm>> -> memref<10240x80xf32, #tpu.memory_space<hbm>>
        tpu.wait_indirect_dma semaphore(%arg11 : memref<!tpu.dma_semaphore, #tpu.memory_space<semaphore_mem>>) src(%dma_wait3A_54 : memref<10240x80xf32, #tpu.memory_space<hbm>>) dst(%dma_wait3A_48 : memref<128x80xf32, #tpu.memory_space<vmem>>)
        %ge3A = arith.constant 1 : i32
        %ge3A_55 = arith.cmpi sge, %scan3A_39, %ge3A : i32
        %convert_element_type3A_56 = arith.extui %ge3A_55 : i1 to i32
        %cond3A_57 = arith.constant 0 : i32
        %cond3A_58 = arith.cmpi ne, %convert_element_type3A_56, %cond3A_57 : i32
        scf.if %cond3A_58 {
          %sub3A = arith.constant 1 : i32
          %sub3A_75 = arith.subi %scan3A_39, %sub3A : i32
          %dma_wait3A_76 = arith.constant 0 : i32
          %dma_wait3A_77 = arith.constant 0 : i32
          %dma_wait3A_78 = tpu.memref_slice %arg9[%rem3A_44, %dma_wait3A_76, %dma_wait3A_77] : memref<2x128x80xf32, #tpu.memory_space<vmem>> -> memref<1x128x80xf32, #tpu.memory_space<vmem>>
          %dma_wait3A_79 = tpu.memref_squeeze %dma_wait3A_78 : memref<1x128x80xf32, #tpu.memory_space<vmem>> -> memref<128x80xf32, #tpu.memory_space<vmem>>
          %dma_wait3A_80 = arith.constant 0 : i32
          %dma_wait3A_81 = tpu.memref_slice %arg8[%sub3A_75, %dma_wait3A_80] : memref<100x128xi32, #tpu.memory_space<vmem>> -> memref<1x128xi32, #tpu.memory_space<vmem>>
          %dma_wait3A_82 = tpu.memref_squeeze %dma_wait3A_81 : memref<1x128xi32, #tpu.memory_space<vmem>> -> memref<128xi32, #tpu.memory_space<vmem>>
          %dma_wait3A_83 = arith.constant 0 : i32
          %dma_wait3A_84 = arith.constant 0 : i32
          %dma_wait3A_85 = tpu.memref_slice %arg10[%dma_wait3A_83, %dma_wait3A_84] : memref<10240x80xf32, #tpu.memory_space<vmem_shared>> -> memref<10240x80xf32, #tpu.memory_space<vmem_shared>>
          tpu.wait_indirect_dma semaphore(%arg12 : memref<!tpu.dma_semaphore, #tpu.memory_space<semaphore_mem>>) src(%dma_wait3A_79 : memref<128x80xf32, #tpu.memory_space<vmem>>) dst(%dma_wait3A_85 : memref<10240x80xf32, #tpu.memory_space<vmem_shared>>)
        } else {
        }
        %add3A_59 = arith.constant 1 : i32
        %add3A_60 = arith.addi %scan3A_39, %add3A_59 : i32
        %lt3A = arith.constant 57 : i32
        %lt3A_61 = arith.cmpi slt, %add3A_60, %lt3A : i32
        %convert_element_type3A_62 = arith.extui %lt3A_61 : i1 to i32
        %cond3A_63 = arith.constant 0 : i32
        %cond3A_64 = arith.cmpi ne, %convert_element_type3A_62, %cond3A_63 : i32
        scf.if %cond3A_64 {
          %add3A_75 = arith.constant 1 : i32
          %add3A_76 = arith.addi %scan3A_39, %add3A_75 : i32
          %dma_start3A_77 = arith.constant 0 : i32
          %dma_start3A_78 = arith.constant 0 : i32
          %dma_start3A_79 = tpu.memref_slice %arg9[%rem3A_44, %dma_start3A_77, %dma_start3A_78] : memref<2x128x80xf32, #tpu.memory_space<vmem>> -> memref<1x128x80xf32, #tpu.memory_space<vmem>>
          %dma_start3A_80 = tpu.memref_squeeze %dma_start3A_79 : memref<1x128x80xf32, #tpu.memory_space<vmem>> -> memref<128x80xf32, #tpu.memory_space<vmem>>
          %dma_start3A_81 = arith.constant 0 : i32
          %dma_start3A_82 = tpu.memref_slice %arg7[%add3A_76, %dma_start3A_81] : memref<100x128xi32, #tpu.memory_space<vmem>> -> memref<1x128xi32, #tpu.memory_space<vmem>>
          %dma_start3A_83 = tpu.memref_squeeze %dma_start3A_82 : memref<1x128xi32, #tpu.memory_space<vmem>> -> memref<128xi32, #tpu.memory_space<vmem>>
          %dma_start3A_84 = arith.constant 0 : i32
          %dma_start3A_85 = arith.constant 0 : i32
          %dma_start3A_86 = tpu.memref_slice %arg2[%dma_start3A_84, %dma_start3A_85] : memref<10240x80xf32, #tpu.memory_space<hbm>> -> memref<10240x80xf32, #tpu.memory_space<hbm>>
          tpu.enqueue_indirect_dma source(%dma_start3A_86 : memref<10240x80xf32, #tpu.memory_space<hbm>>) target(%dma_start3A_80 : memref<128x80xf32, #tpu.memory_space<vmem>>) offsets(%dma_start3A_83 : memref<128xi32, #tpu.memory_space<vmem>>) semaphore(%arg11 : memref<!tpu.dma_semaphore, #tpu.memory_space<semaphore_mem>>)
        } else {
        }
        %dma_start3A_65 = arith.constant 0 : i32
        %dma_start3A_66 = arith.constant 0 : i32
        %dma_start3A_67 = tpu.memref_slice %arg9[%rem3A_41, %dma_start3A_65, %dma_start3A_66] : memref<2x128x80xf32, #tpu.memory_space<vmem>> -> memref<1x128x80xf32, #tpu.memory_space<vmem>>
        %dma_start3A_68 = tpu.memref_squeeze %dma_start3A_67 : memref<1x128x80xf32, #tpu.memory_space<vmem>> -> memref<128x80xf32, #tpu.memory_space<vmem>>
        %dma_start3A_69 = arith.constant 0 : i32
        %dma_start3A_70 = tpu.memref_slice %arg8[%scan3A_39, %dma_start3A_69] : memref<100x128xi32, #tpu.memory_space<vmem>> -> memref<1x128xi32, #tpu.memory_space<vmem>>
        %dma_start3A_71 = tpu.memref_squeeze %dma_start3A_70 : memref<1x128xi32, #tpu.memory_space<vmem>> -> memref<128xi32, #tpu.memory_space<vmem>>
        %dma_start3A_72 = arith.constant 0 : i32
        %dma_start3A_73 = arith.constant 0 : i32
        %dma_start3A_74 = tpu.memref_slice %arg10[%dma_start3A_72, %dma_start3A_73] : memref<10240x80xf32, #tpu.memory_space<vmem_shared>> -> memref<10240x80xf32, #tpu.memory_space<vmem_shared>>
        tpu.enqueue_indirect_dma source(%dma_start3A_68 : memref<128x80xf32, #tpu.memory_space<vmem>>) target(%dma_start3A_74 : memref<10240x80xf32, #tpu.memory_space<vmem_shared>>) offsets(%dma_start3A_71 : memref<128xi32, #tpu.memory_space<vmem>>) semaphore(%arg12 : memref<!tpu.dma_semaphore, #tpu.memory_space<semaphore_mem>>) {add = true}
      }
      %scan3A_25 = arith.constant 57 : i32
      %rem3A = arith.constant 56 : i32
      %rem3A_26 = arith.constant 2 : i32
      %rem3A_27 = arith.remsi %rem3A, %rem3A_26 : i32
      %dma_wait3A = arith.constant 56 : i32
      %dma_wait3A_28 = arith.constant 0 : i32
      %dma_wait3A_29 = arith.constant 0 : i32
      %dma_wait3A_30 = tpu.memref_slice %arg9[%rem3A_27, %dma_wait3A_28, %dma_wait3A_29] : memref<2x128x80xf32, #tpu.memory_space<vmem>> -> memref<1x128x80xf32, #tpu.memory_space<vmem>>
      %dma_wait3A_31 = tpu.memref_squeeze %dma_wait3A_30 : memref<1x128x80xf32, #tpu.memory_space<vmem>> -> memref<128x80xf32, #tpu.memory_space<vmem>>
      %dma_wait3A_32 = arith.constant 0 : i32
      %dma_wait3A_33 = tpu.memref_slice %arg8[%dma_wait3A, %dma_wait3A_32] : memref<100x128xi32, #tpu.memory_space<vmem>> -> memref<1x128xi32, #tpu.memory_space<vmem>>
      %dma_wait3A_34 = tpu.memref_squeeze %dma_wait3A_33 : memref<1x128xi32, #tpu.memory_space<vmem>> -> memref<128xi32, #tpu.memory_space<vmem>>
      %dma_wait3A_35 = arith.constant 0 : i32
      %dma_wait3A_36 = arith.constant 0 : i32
      %dma_wait3A_37 = tpu.memref_slice %arg10[%dma_wait3A_35, %dma_wait3A_36] : memref<10240x80xf32, #tpu.memory_space<vmem_shared>> -> memref<10240x80xf32, #tpu.memory_space<vmem_shared>>
      tpu.wait_indirect_dma semaphore(%arg12 : memref<!tpu.dma_semaphore, #tpu.memory_space<semaphore_mem>>) src(%dma_wait3A_31 : memref<128x80xf32, #tpu.memory_space<vmem>>) dst(%dma_wait3A_37 : memref<10240x80xf32, #tpu.memory_space<vmem_shared>>)
      %barrier3A_38 = arith.constant 0 : index
      tpu.barrier barrier_id(%barrier3A_38)
      "tpu.region"() ({
        %run_scoped3A = tpu.sem_alloc : memref<!tpu.dma_semaphore, #tpu.memory_space<semaphore_mem>>
        %dma_start3A_39 = arith.constant 0 : i32
        %dma_start3A_40 = tpu.memref_slice %arg6[%arg0, %mul3A_0, %dma_start3A_39] : memref<2x10240x80xf32, #tpu.memory_space<hbm>> -> memref<1x640x80xf32, #tpu.memory_space<hbm>>
        %dma_start3A_41 = tpu.memref_squeeze %dma_start3A_40 : memref<1x640x80xf32, #tpu.memory_space<hbm>> -> memref<640x80xf32, #tpu.memory_space<hbm>>
        %dma_start3A_42 = arith.constant 0 : i32
        %dma_start3A_43 = tpu.memref_slice %arg10[%mul3A_0, %dma_start3A_42] : memref<10240x80xf32, #tpu.memory_space<vmem_shared>> -> memref<640x80xf32, #tpu.memory_space<vmem_shared>>
        tpu.enqueue_dma source(%dma_start3A_43 : memref<640x80xf32, #tpu.memory_space<vmem_shared>>) target(%dma_start3A_41 : memref<640x80xf32, #tpu.memory_space<hbm>>) target_semaphore(%run_scoped3A : memref<!tpu.dma_semaphore, #tpu.memory_space<semaphore_mem>>)
        %dma_wait3A_44 = arith.constant 0 : i32
        %dma_wait3A_45 = tpu.memref_slice %arg6[%arg0, %mul3A_0, %dma_wait3A_44] : memref<2x10240x80xf32, #tpu.memory_space<hbm>> -> memref<1x640x80xf32, #tpu.memory_space<hbm>>
        %dma_wait3A_46 = tpu.memref_squeeze %dma_wait3A_45 : memref<1x640x80xf32, #tpu.memory_space<hbm>> -> memref<640x80xf32, #tpu.memory_space<hbm>>
        %dma_wait3A_47 = arith.constant 0 : i32
        %dma_wait3A_48 = tpu.memref_slice %arg10[%mul3A_0, %dma_wait3A_47] : memref<10240x80xf32, #tpu.memory_space<vmem_shared>> -> memref<640x80xf32, #tpu.memory_space<vmem_shared>>
        tpu.wait_dma2 semaphore(%run_scoped3A : memref<!tpu.dma_semaphore, #tpu.memory_space<semaphore_mem>>) src(%dma_wait3A_48 : memref<640x80xf32, #tpu.memory_space<vmem_shared>>) dst(%dma_wait3A_46 : memref<640x80xf32, #tpu.memory_space<hbm>>)
        tpu.yield
      }) : () -> ()
    } else {
    }
    %eq3A_3 = arith.constant 1 : i32
    %eq3A_4 = arith.cmpi eq, %arg0, %eq3A_3 : i32
    %convert_element_type3A_5 = arith.extui %eq3A_4 : i1 to i32
    %cond3A_6 = arith.constant 0 : i32
    %cond3A_7 = arith.cmpi ne, %convert_element_type3A_5, %cond3A_6 : i32
    scf.if %cond3A_7 {
      %mul3A_8 = arith.constant 100 : i32
      %mul3A_9 = arith.muli %arg1, %mul3A_8 : i32
      %add3A = arith.constant 912 : i32
      %add3A_10 = arith.addi %add3A, %mul3A_9 : i32
      "tpu.region"() ({
        %run_scoped3A = tpu.sem_alloc : memref<!tpu.dma_semaphore, #tpu.memory_space<semaphore_mem>>
        %dma_start3A_40 = arith.constant 0 : i32
        %dma_start3A_41 = arith.constant 0 : i32
        %dma_start3A_42 = tpu.memref_slice %arg7[%dma_start3A_40, %dma_start3A_41] : memref<100x128xi32, #tpu.memory_space<vmem>> -> memref<100x128xi32, #tpu.memory_space<vmem>>
        %dma_start3A_43 = arith.constant 0 : i32
        %dma_start3A_44 = tpu.memref_slice %arg3[%add3A_10, %dma_start3A_43] : memref<2512x128xi32, #tpu.memory_space<hbm>> -> memref<100x128xi32, #tpu.memory_space<hbm>>
        %dma_start3A_45 = arith.constant 0 : i32
        %dma_start3A_46 = arith.constant 0 : i32
        %dma_start3A_47 = tpu.memref_slice %arg7[%dma_start3A_45, %dma_start3A_46] : memref<100x128xi32, #tpu.memory_space<vmem>> -> memref<100x128xi32, #tpu.memory_space<vmem>>
        %dma_start3A_48 = arith.constant 0 : i32
        %dma_start3A_49 = tpu.memref_slice %arg3[%add3A_10, %dma_start3A_48] : memref<2512x128xi32, #tpu.memory_space<hbm>> -> memref<100x128xi32, #tpu.memory_space<hbm>>
        tpu.enqueue_dma source(%dma_start3A_49 : memref<100x128xi32, #tpu.memory_space<hbm>>) target(%dma_start3A_47 : memref<100x128xi32, #tpu.memory_space<vmem>>) target_semaphore(%run_scoped3A : memref<!tpu.dma_semaphore, #tpu.memory_space<semaphore_mem>>)
        %dma_wait3A_50 = arith.constant 0 : i32
        %dma_wait3A_51 = arith.constant 0 : i32
        %dma_wait3A_52 = tpu.memref_slice %arg7[%dma_wait3A_50, %dma_wait3A_51] : memref<100x128xi32, #tpu.memory_space<vmem>> -> memref<100x128xi32, #tpu.memory_space<vmem>>
        %dma_wait3A_53 = arith.constant 0 : i32
        %dma_wait3A_54 = tpu.memref_slice %arg3[%add3A_10, %dma_wait3A_53] : memref<2512x128xi32, #tpu.memory_space<hbm>> -> memref<100x128xi32, #tpu.memory_space<hbm>>
        %dma_wait3A_55 = arith.constant 0 : i32
        %dma_wait3A_56 = arith.constant 0 : i32
        %dma_wait3A_57 = tpu.memref_slice %arg7[%dma_wait3A_55, %dma_wait3A_56] : memref<100x128xi32, #tpu.memory_space<vmem>> -> memref<100x128xi32, #tpu.memory_space<vmem>>
        %dma_wait3A_58 = arith.constant 0 : i32
        %dma_wait3A_59 = tpu.memref_slice %arg3[%add3A_10, %dma_wait3A_58] : memref<2512x128xi32, #tpu.memory_space<hbm>> -> memref<100x128xi32, #tpu.memory_space<hbm>>
        tpu.wait_dma2 semaphore(%run_scoped3A : memref<!tpu.dma_semaphore, #tpu.memory_space<semaphore_mem>>) src(%dma_wait3A_59 : memref<100x128xi32, #tpu.memory_space<hbm>>) dst(%dma_wait3A_57 : memref<100x128xi32, #tpu.memory_space<vmem>>)
        tpu.yield
      }) : () -> ()
      "tpu.region"() ({
        %run_scoped3A = tpu.sem_alloc : memref<!tpu.dma_semaphore, #tpu.memory_space<semaphore_mem>>
        %dma_start3A_40 = arith.constant 0 : i32
        %dma_start3A_41 = arith.constant 0 : i32
        %dma_start3A_42 = tpu.memref_slice %arg8[%dma_start3A_40, %dma_start3A_41] : memref<100x128xi32, #tpu.memory_space<vmem>> -> memref<100x128xi32, #tpu.memory_space<vmem>>
        %dma_start3A_43 = arith.constant 0 : i32
        %dma_start3A_44 = tpu.memref_slice %arg4[%add3A_10, %dma_start3A_43] : memref<2512x128xi32, #tpu.memory_space<hbm>> -> memref<100x128xi32, #tpu.memory_space<hbm>>
        %dma_start3A_45 = arith.constant 0 : i32
        %dma_start3A_46 = arith.constant 0 : i32
        %dma_start3A_47 = tpu.memref_slice %arg8[%dma_start3A_45, %dma_start3A_46] : memref<100x128xi32, #tpu.memory_space<vmem>> -> memref<100x128xi32, #tpu.memory_space<vmem>>
        %dma_start3A_48 = arith.constant 0 : i32
        %dma_start3A_49 = tpu.memref_slice %arg4[%add3A_10, %dma_start3A_48] : memref<2512x128xi32, #tpu.memory_space<hbm>> -> memref<100x128xi32, #tpu.memory_space<hbm>>
        tpu.enqueue_dma source(%dma_start3A_49 : memref<100x128xi32, #tpu.memory_space<hbm>>) target(%dma_start3A_47 : memref<100x128xi32, #tpu.memory_space<vmem>>) target_semaphore(%run_scoped3A : memref<!tpu.dma_semaphore, #tpu.memory_space<semaphore_mem>>)
        %dma_wait3A_50 = arith.constant 0 : i32
        %dma_wait3A_51 = arith.constant 0 : i32
        %dma_wait3A_52 = tpu.memref_slice %arg8[%dma_wait3A_50, %dma_wait3A_51] : memref<100x128xi32, #tpu.memory_space<vmem>> -> memref<100x128xi32, #tpu.memory_space<vmem>>
        %dma_wait3A_53 = arith.constant 0 : i32
        %dma_wait3A_54 = tpu.memref_slice %arg4[%add3A_10, %dma_wait3A_53] : memref<2512x128xi32, #tpu.memory_space<hbm>> -> memref<100x128xi32, #tpu.memory_space<hbm>>
        %dma_wait3A_55 = arith.constant 0 : i32
        %dma_wait3A_56 = arith.constant 0 : i32
        %dma_wait3A_57 = tpu.memref_slice %arg8[%dma_wait3A_55, %dma_wait3A_56] : memref<100x128xi32, #tpu.memory_space<vmem>> -> memref<100x128xi32, #tpu.memory_space<vmem>>
        %dma_wait3A_58 = arith.constant 0 : i32
        %dma_wait3A_59 = tpu.memref_slice %arg4[%add3A_10, %dma_wait3A_58] : memref<2512x128xi32, #tpu.memory_space<hbm>> -> memref<100x128xi32, #tpu.memory_space<hbm>>
        tpu.wait_dma2 semaphore(%run_scoped3A : memref<!tpu.dma_semaphore, #tpu.memory_space<semaphore_mem>>) src(%dma_wait3A_59 : memref<100x128xi32, #tpu.memory_space<hbm>>) dst(%dma_wait3A_57 : memref<100x128xi32, #tpu.memory_space<vmem>>)
        tpu.yield
      }) : () -> ()
      %barrier3A = arith.constant 0 : index
      tpu.barrier barrier_id(%barrier3A)
      %dma_start3A = arith.constant 0 : i32
      %dma_start3A_11 = arith.constant 0 : i32
      %dma_start3A_12 = arith.constant 0 : i32
      %dma_start3A_13 = arith.constant 0 : i32
      %dma_start3A_14 = tpu.memref_slice %arg9[%dma_start3A_11, %dma_start3A_12, %dma_start3A_13] : memref<2x128x80xf32, #tpu.memory_space<vmem>> -> memref<1x128x80xf32, #tpu.memory_space<vmem>>
      %dma_start3A_15 = tpu.memref_squeeze %dma_start3A_14 : memref<1x128x80xf32, #tpu.memory_space<vmem>> -> memref<128x80xf32, #tpu.memory_space<vmem>>
      %dma_start3A_16 = arith.constant 0 : i32
      %dma_start3A_17 = tpu.memref_slice %arg7[%dma_start3A, %dma_start3A_16] : memref<100x128xi32, #tpu.memory_space<vmem>> -> memref<1x128xi32, #tpu.memory_space<vmem>>
      %dma_start3A_18 = tpu.memref_squeeze %dma_start3A_17 : memref<1x128xi32, #tpu.memory_space<vmem>> -> memref<128xi32, #tpu.memory_space<vmem>>
      %dma_start3A_19 = arith.constant 0 : i32
      %dma_start3A_20 = arith.constant 0 : i32
      %dma_start3A_21 = tpu.memref_slice %arg2[%dma_start3A_19, %dma_start3A_20] : memref<10240x80xf32, #tpu.memory_space<hbm>> -> memref<10240x80xf32, #tpu.memory_space<hbm>>
      tpu.enqueue_indirect_dma source(%dma_start3A_21 : memref<10240x80xf32, #tpu.memory_space<hbm>>) target(%dma_start3A_15 : memref<128x80xf32, #tpu.memory_space<vmem>>) offsets(%dma_start3A_18 : memref<128xi32, #tpu.memory_space<vmem>>) semaphore(%arg11 : memref<!tpu.dma_semaphore, #tpu.memory_space<semaphore_mem>>)
      %scan3A = arith.constant 0 : i32
      %scan3A_22 = arith.constant 0 : i32
      %scan3A_23 = arith.constant 100 : i32
      %scan3A_24 = arith.addi %scan3A_22, %scan3A_23 : i32
      %scan3A_25 = arith.constant 1 : i32
      scf.for %scan3A_40 = %scan3A_22 to %scan3A_24 step %scan3A_25  : i32 {
        %rem3A_41 = arith.constant 2 : i32
        %rem3A_42 = arith.remsi %scan3A_40, %rem3A_41 : i32
        %add3A_43 = arith.constant 1 : i32
        %add3A_44 = arith.addi %scan3A_40, %add3A_43 : i32
        %rem3A_45 = arith.constant 2 : i32
        %rem3A_46 = arith.remsi %add3A_44, %rem3A_45 : i32
        %dma_wait3A_47 = arith.constant 0 : i32
        %dma_wait3A_48 = arith.constant 0 : i32
        %dma_wait3A_49 = tpu.memref_slice %arg9[%rem3A_42, %dma_wait3A_47, %dma_wait3A_48] : memref<2x128x80xf32, #tpu.memory_space<vmem>> -> memref<1x128x80xf32, #tpu.memory_space<vmem>>
        %dma_wait3A_50 = tpu.memref_squeeze %dma_wait3A_49 : memref<1x128x80xf32, #tpu.memory_space<vmem>> -> memref<128x80xf32, #tpu.memory_space<vmem>>
        %dma_wait3A_51 = arith.constant 0 : i32
        %dma_wait3A_52 = tpu.memref_slice %arg7[%scan3A_40, %dma_wait3A_51] : memref<100x128xi32, #tpu.memory_space<vmem>> -> memref<1x128xi32, #tpu.memory_space<vmem>>
        %dma_wait3A_53 = tpu.memref_squeeze %dma_wait3A_52 : memref<1x128xi32, #tpu.memory_space<vmem>> -> memref<128xi32, #tpu.memory_space<vmem>>
        %dma_wait3A_54 = arith.constant 0 : i32
        %dma_wait3A_55 = arith.constant 0 : i32
        %dma_wait3A_56 = tpu.memref_slice %arg2[%dma_wait3A_54, %dma_wait3A_55] : memref<10240x80xf32, #tpu.memory_space<hbm>> -> memref<10240x80xf32, #tpu.memory_space<hbm>>
        tpu.wait_indirect_dma semaphore(%arg11 : memref<!tpu.dma_semaphore, #tpu.memory_space<semaphore_mem>>) src(%dma_wait3A_56 : memref<10240x80xf32, #tpu.memory_space<hbm>>) dst(%dma_wait3A_50 : memref<128x80xf32, #tpu.memory_space<vmem>>)
        %ge3A = arith.constant 1 : i32
        %ge3A_57 = arith.cmpi sge, %scan3A_40, %ge3A : i32
        %convert_element_type3A_58 = arith.extui %ge3A_57 : i1 to i32
        %cond3A_59 = arith.constant 0 : i32
        %cond3A_60 = arith.cmpi ne, %convert_element_type3A_58, %cond3A_59 : i32
        scf.if %cond3A_60 {
          %sub3A = arith.constant 1 : i32
          %sub3A_77 = arith.subi %scan3A_40, %sub3A : i32
          %dma_wait3A_78 = arith.constant 0 : i32
          %dma_wait3A_79 = arith.constant 0 : i32
          %dma_wait3A_80 = tpu.memref_slice %arg9[%rem3A_46, %dma_wait3A_78, %dma_wait3A_79] : memref<2x128x80xf32, #tpu.memory_space<vmem>> -> memref<1x128x80xf32, #tpu.memory_space<vmem>>
          %dma_wait3A_81 = tpu.memref_squeeze %dma_wait3A_80 : memref<1x128x80xf32, #tpu.memory_space<vmem>> -> memref<128x80xf32, #tpu.memory_space<vmem>>
          %dma_wait3A_82 = arith.constant 0 : i32
          %dma_wait3A_83 = tpu.memref_slice %arg8[%sub3A_77, %dma_wait3A_82] : memref<100x128xi32, #tpu.memory_space<vmem>> -> memref<1x128xi32, #tpu.memory_space<vmem>>
          %dma_wait3A_84 = tpu.memref_squeeze %dma_wait3A_83 : memref<1x128xi32, #tpu.memory_space<vmem>> -> memref<128xi32, #tpu.memory_space<vmem>>
          %dma_wait3A_85 = arith.constant 0 : i32
          %dma_wait3A_86 = arith.constant 0 : i32
          %dma_wait3A_87 = tpu.memref_slice %arg10[%dma_wait3A_85, %dma_wait3A_86] : memref<10240x80xf32, #tpu.memory_space<vmem_shared>> -> memref<10240x80xf32, #tpu.memory_space<vmem_shared>>
          tpu.wait_indirect_dma semaphore(%arg12 : memref<!tpu.dma_semaphore, #tpu.memory_space<semaphore_mem>>) src(%dma_wait3A_81 : memref<128x80xf32, #tpu.memory_space<vmem>>) dst(%dma_wait3A_87 : memref<10240x80xf32, #tpu.memory_space<vmem_shared>>)
        } else {
        }
        %add3A_61 = arith.constant 1 : i32
        %add3A_62 = arith.addi %scan3A_40, %add3A_61 : i32
        %lt3A = arith.constant 100 : i32
        %lt3A_63 = arith.cmpi slt, %add3A_62, %lt3A : i32
        %convert_element_type3A_64 = arith.extui %lt3A_63 : i1 to i32
        %cond3A_65 = arith.constant 0 : i32
        %cond3A_66 = arith.cmpi ne, %convert_element_type3A_64, %cond3A_65 : i32
        scf.if %cond3A_66 {
          %add3A_77 = arith.constant 1 : i32
          %add3A_78 = arith.addi %scan3A_40, %add3A_77 : i32
          %dma_start3A_79 = arith.constant 0 : i32
          %dma_start3A_80 = arith.constant 0 : i32
          %dma_start3A_81 = tpu.memref_slice %arg9[%rem3A_46, %dma_start3A_79, %dma_start3A_80] : memref<2x128x80xf32, #tpu.memory_space<vmem>> -> memref<1x128x80xf32, #tpu.memory_space<vmem>>
          %dma_start3A_82 = tpu.memref_squeeze %dma_start3A_81 : memref<1x128x80xf32, #tpu.memory_space<vmem>> -> memref<128x80xf32, #tpu.memory_space<vmem>>
          %dma_start3A_83 = arith.constant 0 : i32
          %dma_start3A_84 = tpu.memref_slice %arg7[%add3A_78, %dma_start3A_83] : memref<100x128xi32, #tpu.memory_space<vmem>> -> memref<1x128xi32, #tpu.memory_space<vmem>>
          %dma_start3A_85 = tpu.memref_squeeze %dma_start3A_84 : memref<1x128xi32, #tpu.memory_space<vmem>> -> memref<128xi32, #tpu.memory_space<vmem>>
          %dma_start3A_86 = arith.constant 0 : i32
          %dma_start3A_87 = arith.constant 0 : i32
          %dma_start3A_88 = tpu.memref_slice %arg2[%dma_start3A_86, %dma_start3A_87] : memref<10240x80xf32, #tpu.memory_space<hbm>> -> memref<10240x80xf32, #tpu.memory_space<hbm>>
          tpu.enqueue_indirect_dma source(%dma_start3A_88 : memref<10240x80xf32, #tpu.memory_space<hbm>>) target(%dma_start3A_82 : memref<128x80xf32, #tpu.memory_space<vmem>>) offsets(%dma_start3A_85 : memref<128xi32, #tpu.memory_space<vmem>>) semaphore(%arg11 : memref<!tpu.dma_semaphore, #tpu.memory_space<semaphore_mem>>)
        } else {
        }
        %dma_start3A_67 = arith.constant 0 : i32
        %dma_start3A_68 = arith.constant 0 : i32
        %dma_start3A_69 = tpu.memref_slice %arg9[%rem3A_42, %dma_start3A_67, %dma_start3A_68] : memref<2x128x80xf32, #tpu.memory_space<vmem>> -> memref<1x128x80xf32, #tpu.memory_space<vmem>>
        %dma_start3A_70 = tpu.memref_squeeze %dma_start3A_69 : memref<1x128x80xf32, #tpu.memory_space<vmem>> -> memref<128x80xf32, #tpu.memory_space<vmem>>
        %dma_start3A_71 = arith.constant 0 : i32
        %dma_start3A_72 = tpu.memref_slice %arg8[%scan3A_40, %dma_start3A_71] : memref<100x128xi32, #tpu.memory_space<vmem>> -> memref<1x128xi32, #tpu.memory_space<vmem>>
        %dma_start3A_73 = tpu.memref_squeeze %dma_start3A_72 : memref<1x128xi32, #tpu.memory_space<vmem>> -> memref<128xi32, #tpu.memory_space<vmem>>
        %dma_start3A_74 = arith.constant 0 : i32
        %dma_start3A_75 = arith.constant 0 : i32
        %dma_start3A_76 = tpu.memref_slice %arg10[%dma_start3A_74, %dma_start3A_75] : memref<10240x80xf32, #tpu.memory_space<vmem_shared>> -> memref<10240x80xf32, #tpu.memory_space<vmem_shared>>
        tpu.enqueue_indirect_dma source(%dma_start3A_70 : memref<128x80xf32, #tpu.memory_space<vmem>>) target(%dma_start3A_76 : memref<10240x80xf32, #tpu.memory_space<vmem_shared>>) offsets(%dma_start3A_73 : memref<128xi32, #tpu.memory_space<vmem>>) semaphore(%arg12 : memref<!tpu.dma_semaphore, #tpu.memory_space<semaphore_mem>>) {add = true}
      }
      %scan3A_26 = arith.constant 100 : i32
      %rem3A = arith.constant 99 : i32
      %rem3A_27 = arith.constant 2 : i32
      %rem3A_28 = arith.remsi %rem3A, %rem3A_27 : i32
      %dma_wait3A = arith.constant 99 : i32
      %dma_wait3A_29 = arith.constant 0 : i32
      %dma_wait3A_30 = arith.constant 0 : i32
      %dma_wait3A_31 = tpu.memref_slice %arg9[%rem3A_28, %dma_wait3A_29, %dma_wait3A_30] : memref<2x128x80xf32, #tpu.memory_space<vmem>> -> memref<1x128x80xf32, #tpu.memory_space<vmem>>
      %dma_wait3A_32 = tpu.memref_squeeze %dma_wait3A_31 : memref<1x128x80xf32, #tpu.memory_space<vmem>> -> memref<128x80xf32, #tpu.memory_space<vmem>>
      %dma_wait3A_33 = arith.constant 0 : i32
      %dma_wait3A_34 = tpu.memref_slice %arg8[%dma_wait3A, %dma_wait3A_33] : memref<100x128xi32, #tpu.memory_space<vmem>> -> memref<1x128xi32, #tpu.memory_space<vmem>>
      %dma_wait3A_35 = tpu.memref_squeeze %dma_wait3A_34 : memref<1x128xi32, #tpu.memory_space<vmem>> -> memref<128xi32, #tpu.memory_space<vmem>>
      %dma_wait3A_36 = arith.constant 0 : i32
      %dma_wait3A_37 = arith.constant 0 : i32
      %dma_wait3A_38 = tpu.memref_slice %arg10[%dma_wait3A_36, %dma_wait3A_37] : memref<10240x80xf32, #tpu.memory_space<vmem_shared>> -> memref<10240x80xf32, #tpu.memory_space<vmem_shared>>
      tpu.wait_indirect_dma semaphore(%arg12 : memref<!tpu.dma_semaphore, #tpu.memory_space<semaphore_mem>>) src(%dma_wait3A_32 : memref<128x80xf32, #tpu.memory_space<vmem>>) dst(%dma_wait3A_38 : memref<10240x80xf32, #tpu.memory_space<vmem_shared>>)
      %barrier3A_39 = arith.constant 0 : index
      tpu.barrier barrier_id(%barrier3A_39)
      "tpu.region"() ({
        %run_scoped3A = tpu.sem_alloc : memref<!tpu.dma_semaphore, #tpu.memory_space<semaphore_mem>>
        %dma_start3A_40 = arith.constant 0 : i32
        %dma_start3A_41 = tpu.memref_slice %arg6[%arg0, %mul3A_0, %dma_start3A_40] : memref<2x10240x80xf32, #tpu.memory_space<hbm>> -> memref<1x640x80xf32, #tpu.memory_space<hbm>>
        %dma_start3A_42 = tpu.memref_squeeze %dma_start3A_41 : memref<1x640x80xf32, #tpu.memory_space<hbm>> -> memref<640x80xf32, #tpu.memory_space<hbm>>
        %dma_start3A_43 = arith.constant 0 : i32
        %dma_start3A_44 = tpu.memref_slice %arg10[%mul3A_0, %dma_start3A_43] : memref<10240x80xf32, #tpu.memory_space<vmem_shared>> -> memref<640x80xf32, #tpu.memory_space<vmem_shared>>
        tpu.enqueue_dma source(%dma_start3A_44 : memref<640x80xf32, #tpu.memory_space<vmem_shared>>) target(%dma_start3A_42 : memref<640x80xf32, #tpu.memory_space<hbm>>) target_semaphore(%run_scoped3A : memref<!tpu.dma_semaphore, #tpu.memory_space<semaphore_mem>>)
        %dma_wait3A_45 = arith.constant 0 : i32
        %dma_wait3A_46 = tpu.memref_slice %arg6[%arg0, %mul3A_0, %dma_wait3A_45] : memref<2x10240x80xf32, #tpu.memory_space<hbm>> -> memref<1x640x80xf32, #tpu.memory_space<hbm>>
        %dma_wait3A_47 = tpu.memref_squeeze %dma_wait3A_46 : memref<1x640x80xf32, #tpu.memory_space<hbm>> -> memref<640x80xf32, #tpu.memory_space<hbm>>
        %dma_wait3A_48 = arith.constant 0 : i32
        %dma_wait3A_49 = tpu.memref_slice %arg10[%mul3A_0, %dma_wait3A_48] : memref<10240x80xf32, #tpu.memory_space<vmem_shared>> -> memref<640x80xf32, #tpu.memory_space<vmem_shared>>
        tpu.wait_dma2 semaphore(%run_scoped3A : memref<!tpu.dma_semaphore, #tpu.memory_space<semaphore_mem>>) src(%dma_wait3A_49 : memref<640x80xf32, #tpu.memory_space<vmem_shared>>) dst(%dma_wait3A_47 : memref<640x80xf32, #tpu.memory_space<hbm>>)
        tpu.yield
      }) : () -> ()
    } else {
    }
    return
  }
}

module attributes {stable_mosaic.version = 14 : i64} {
  func.func @body(%arg0: i32, %arg1: memref<640x128xf32, #tpu.memory_space<vmem>>, %arg2: memref<64x128xf32, #tpu.memory_space<vmem>>, %arg3: memref<64x128xf32, #tpu.memory_space<vmem>>, %arg4: memref<640x80xf32, #tpu.memory_space<vmem>>, %arg5: memref<640x64xf32, #tpu.memory_space<vmem>>) attributes {dimension_semantics = [#tpu.dimension_semantics<arbitrary>], iteration_bounds = array<i64: 16>, scalar_prefetch = 0 : i64, scratch_operands = 0 : i64, tpu.core_type = #tpu.core_type<tc>, window_params = [{transform_indices = @transform_0, window_bounds = array<i64: 640, 128>}, {pipeline_mode = #tpu.pipeline_mode<synchronous>, transform_indices = @transform_1, window_bounds = array<i64: 64, 128>}, {pipeline_mode = #tpu.pipeline_mode<synchronous>, transform_indices = @transform_2, window_bounds = array<i64: 64, 128>}, {transform_indices = @transform_3, window_bounds = array<i64: 640, 80>}, {transform_indices = @transform_4, window_bounds = array<i64: 640, 64>}]} {
    %get3A = arith.constant 0 : index
    %get3A_0 = arith.constant 0 : index
    %get3A_1 = vector.load %arg1[%get3A, %get3A_0] : memref<640x128xf32, #tpu.memory_space<vmem>>, vector<640x128xf32>
    %get3A_2 = arith.constant 0 : index
    %get3A_3 = arith.constant 0 : index
    %get3A_4 = vector.load %arg2[%get3A_2, %get3A_3] : memref<64x128xf32, #tpu.memory_space<vmem>>, vector<64x128xf32>
    %dot_general3A = arith.constant dense<0.000000e+00> : vector<640x64xf32>
    %dot_general3A_5 = tpu.matmul %get3A_1, %get3A_4, %dot_general3A {dimension_numbers = #tpu.dot_dimension_numbers<[1], [1], [0], [0], [0, 0, 1, 0], [], []>, transpose_lhs_hint = false} : vector<640x128xf32>, vector<64x128xf32>, vector<640x64xf32> -> vector<640x64xf32>
    %broadcast_in_dim3A = arith.constant 1.000000e+00 : f32
    %broadcast_in_dim3A_6 = vector.broadcast %broadcast_in_dim3A : f32 to vector<640x16xf32>
    %concatenate3A = tpu.concatenate %dot_general3A_5, %broadcast_in_dim3A_6 in 1 : vector<640x64xf32>, vector<640x16xf32> -> vector<640x80xf32>
    %swap3A = arith.constant 0 : index
    %swap3A_7 = arith.constant 0 : index
    %swap3A_8 = vector.load %arg4[%swap3A, %swap3A_7] : memref<640x80xf32, #tpu.memory_space<vmem>>, vector<640x80xf32>
    tpu.vector_store %arg4[%swap3A, %swap3A_7], %concatenate3A {strides = array<i32>} : memref<640x80xf32, #tpu.memory_space<vmem>>, vector<640x80xf32>,
    %get3A_9 = arith.constant 0 : index
    %get3A_10 = arith.constant 0 : index
    %get3A_11 = vector.load %arg3[%get3A_9, %get3A_10] : memref<64x128xf32, #tpu.memory_space<vmem>>, vector<64x128xf32>
    %dot_general3A_12 = arith.constant dense<0.000000e+00> : vector<640x64xf32>
    %dot_general3A_13 = tpu.matmul %get3A_1, %get3A_11, %dot_general3A_12 {dimension_numbers = #tpu.dot_dimension_numbers<[1], [1], [0], [0], [0, 0, 1, 0], [], []>, transpose_lhs_hint = false} : vector<640x128xf32>, vector<64x128xf32>, vector<640x64xf32> -> vector<640x64xf32>
    %swap3A_14 = arith.constant 0 : index
    %swap3A_15 = arith.constant 0 : index
    %swap3A_16 = vector.load %arg5[%swap3A_14, %swap3A_15] : memref<640x64xf32, #tpu.memory_space<vmem>>, vector<640x64xf32>
    tpu.vector_store %arg5[%swap3A_14, %swap3A_15], %dot_general3A_13 {strides = array<i32>} : memref<640x64xf32, #tpu.memory_space<vmem>>, vector<640x64xf32>,
    return
  }
  func.func @transform_0(%arg0: i32) -> (i32, i32) {
    %c0_i32 = arith.constant 0 : i32
    %c0_i32_0 = arith.constant 0 : i32
    return %arg0, %c0_i32 : i32, i32
  }
  func.func @transform_1(%arg0: i32) -> (i32, i32) {
    %c0_i32 = arith.constant 0 : i32
    %c0_i32_0 = arith.constant 0 : i32
    %c0_i32_1 = arith.constant 0 : i32
    return %c0_i32, %c0_i32_0 : i32, i32
  }
  func.func @transform_2(%arg0: i32) -> (i32, i32) {
    %c0_i32 = arith.constant 0 : i32
    %c0_i32_0 = arith.constant 0 : i32
    %c0_i32_1 = arith.constant 0 : i32
    return %c0_i32, %c0_i32_0 : i32, i32
  }
  func.func @transform_3(%arg0: i32) -> (i32, i32) {
    %c0_i32 = arith.constant 0 : i32
    %c0_i32_0 = arith.constant 0 : i32
    return %arg0, %c0_i32 : i32, i32
  }
  func.func @transform_4(%arg0: i32) -> (i32, i32) {
    %c0_i32 = arith.constant 0 : i32
    %c0_i32_0 = arith.constant 0 : i32
    return %arg0, %c0_i32 : i32, i32
  }
}

module attributes {stable_mosaic.version = 14 : i64} {
  func.func @body(%arg0: i32, %arg1: memref<640x64xf32, #tpu.memory_space<vmem>>, %arg2: memref<2x640x80xf32, #tpu.memory_space<vmem>>, %arg3: memref<1x64xf32, #tpu.memory_space<vmem>>, %arg4: memref<64x64xf32, #tpu.memory_space<vmem>>, %arg5: memref<64x64xf32, #tpu.memory_space<vmem>>, %arg6: memref<640x64xf32, #tpu.memory_space<vmem>>, %arg7: memref<640x64xf32, #tpu.memory_space<vmem>>, %arg8: memref<640x8xf32, #tpu.memory_space<vmem>>) attributes {dimension_semantics = [#tpu.dimension_semantics<arbitrary>], iteration_bounds = array<i64: 16>, scalar_prefetch = 0 : i64, scratch_operands = 0 : i64, tpu.core_type = #tpu.core_type<tc>, window_params = [{transform_indices = @transform_0, window_bounds = array<i64: 640, 64>}, {transform_indices = @transform_1, window_bounds = array<i64: 2, 640, 80>}, {pipeline_mode = #tpu.pipeline_mode<synchronous>, transform_indices = @transform_2, window_bounds = array<i64: 1, 64>}, {pipeline_mode = #tpu.pipeline_mode<synchronous>, transform_indices = @transform_3, window_bounds = array<i64: 64, 64>}, {pipeline_mode = #tpu.pipeline_mode<synchronous>, transform_indices = @transform_4, window_bounds = array<i64: 64, 64>}, {transform_indices = @transform_5, window_bounds = array<i64: 640, 64>}, {transform_indices = @transform_6, window_bounds = array<i64: 640, 64>}, {transform_indices = @transform_7, window_bounds = array<i64: 640, 8>}]} {
    %get3A = arith.constant 0 : index
    %get3A_0 = arith.constant 0 : index
    %get3A_1 = arith.constant 0 : index
    %get3A_2 = vector.load %arg2[%get3A, %get3A_0, %get3A_1] : memref<2x640x80xf32, #tpu.memory_space<vmem>>, vector<1x640x64xf32>
    %get3A_3 = vector.shape_cast %get3A_2 : vector<1x640x64xf32> to vector<640x64xf32>
    %get3A_4 = arith.constant 1 : index
    %get3A_5 = arith.constant 0 : index
    %get3A_6 = arith.constant 0 : index
    %get3A_7 = vector.load %arg2[%get3A_4, %get3A_5, %get3A_6] : memref<2x640x80xf32, #tpu.memory_space<vmem>>, vector<1x640x64xf32>
    %get3A_8 = vector.shape_cast %get3A_7 : vector<1x640x64xf32> to vector<640x64xf32>
    %add3A = arith.addf %get3A_3, %get3A_8 : vector<640x64xf32>
    %get3A_9 = arith.constant 0 : index
    %get3A_10 = arith.constant 0 : index
    %get3A_11 = arith.constant 64 : index
    %get3A_12 = vector.load %arg2[%get3A_9, %get3A_10, %get3A_11] : memref<2x640x80xf32, #tpu.memory_space<vmem>>, vector<1x640x1xf32>
    %get3A_13 = vector.shape_cast %get3A_12 : vector<1x640x1xf32> to vector<640x1xf32>
    %get3A_14 = arith.constant 1 : index
    %get3A_15 = arith.constant 0 : index
    %get3A_16 = arith.constant 64 : index
    %get3A_17 = vector.load %arg2[%get3A_14, %get3A_15, %get3A_16] : memref<2x640x80xf32, #tpu.memory_space<vmem>>, vector<1x640x1xf32>
    %get3A_18 = vector.shape_cast %get3A_17 : vector<1x640x1xf32> to vector<640x1xf32>
    %add3A_19 = arith.addf %get3A_13, %get3A_18 : vector<640x1xf32>
    %max3A = arith.constant 1.000000e+00 : f32
    %max3A_20 = vector.broadcast %max3A : f32 to vector<640x1xf32>
    %max3A_21 = arith.maximumf %add3A_19, %max3A_20 : vector<640x1xf32>
    %div3A = arith.constant 1.000000e+00 : f32
    %div3A_22 = vector.broadcast %div3A : f32 to vector<640x1xf32>
    %div3A_23 = arith.divf %div3A_22, %max3A_21 : vector<640x1xf32>
    %get3A_24 = arith.constant 0 : index
    %get3A_25 = arith.constant 0 : index
    %get3A_26 = vector.load %arg1[%get3A_24, %get3A_25] : memref<640x64xf32, #tpu.memory_space<vmem>>, vector<640x64xf32>
    %mul3A = vector.broadcast %div3A_23 : vector<640x1xf32> to vector<640x64xf32>
    %mul3A_27 = arith.mulf %add3A, %mul3A : vector<640x64xf32>
    %add3A_28 = arith.addf %get3A_26, %mul3A_27 : vector<640x64xf32>
    %get3A_29 = arith.constant 0 : index
    %get3A_30 = arith.constant 0 : index
    %get3A_31 = vector.load %arg3[%get3A_29, %get3A_30] : memref<1x64xf32, #tpu.memory_space<vmem>>, vector<1x64xf32>
    %add3A_32 = vector.broadcast %get3A_31 : vector<1x64xf32> to vector<640x64xf32>
    %add3A_33 = arith.addf %add3A_28, %add3A_32 : vector<640x64xf32>
    %max3A_34 = arith.constant 0.000000e+00 : f32
    %max3A_35 = vector.broadcast %max3A_34 : f32 to vector<640x64xf32>
    %max3A_36 = arith.maximumf %add3A_33, %max3A_35 : vector<640x64xf32>
    %get3A_37 = arith.constant 0 : index
    %get3A_38 = arith.constant 0 : index
    %get3A_39 = vector.load %arg4[%get3A_37, %get3A_38] : memref<64x64xf32, #tpu.memory_space<vmem>>, vector<64x64xf32>
    %dot_general3A = arith.constant dense<0.000000e+00> : vector<640x64xf32>
    %dot_general3A_40 = tpu.matmul %max3A_36, %get3A_39, %dot_general3A {dimension_numbers = #tpu.dot_dimension_numbers<[1], [1], [0], [0], [0, 0, 1, 0], [], []>, transpose_lhs_hint = false} : vector<640x64xf32>, vector<64x64xf32>, vector<640x64xf32> -> vector<640x64xf32>
    %swap3A = arith.constant 0 : index
    %swap3A_41 = arith.constant 0 : index
    %swap3A_42 = vector.load %arg6[%swap3A, %swap3A_41] : memref<640x64xf32, #tpu.memory_space<vmem>>, vector<640x64xf32>
    tpu.vector_store %arg6[%swap3A, %swap3A_41], %dot_general3A_40 {strides = array<i32>} : memref<640x64xf32, #tpu.memory_space<vmem>>, vector<640x64xf32>,
    %get3A_43 = arith.constant 0 : index
    %get3A_44 = arith.constant 0 : index
    %get3A_45 = vector.load %arg5[%get3A_43, %get3A_44] : memref<64x64xf32, #tpu.memory_space<vmem>>, vector<64x64xf32>
    %dot_general3A_46 = arith.constant dense<0.000000e+00> : vector<640x64xf32>
    %dot_general3A_47 = tpu.matmul %max3A_36, %get3A_45, %dot_general3A_46 {dimension_numbers = #tpu.dot_dimension_numbers<[1], [1], [0], [0], [0, 0, 1, 0], [], []>, transpose_lhs_hint = false} : vector<640x64xf32>, vector<64x64xf32>, vector<640x64xf32> -> vector<640x64xf32>
    %swap3A_48 = arith.constant 0 : index
    %swap3A_49 = arith.constant 0 : index
    %swap3A_50 = vector.load %arg7[%swap3A_48, %swap3A_49] : memref<640x64xf32, #tpu.memory_space<vmem>>, vector<640x64xf32>
    tpu.vector_store %arg7[%swap3A_48, %swap3A_49], %dot_general3A_47 {strides = array<i32>} : memref<640x64xf32, #tpu.memory_space<vmem>>, vector<640x64xf32>,
    %broadcast_in_dim3A = vector.shape_cast %div3A_23 : vector<640x1xf32> to vector<640x1xf32>
    %broadcast_in_dim3A_51 = vector.broadcast %broadcast_in_dim3A : vector<640x1xf32> to vector<640x8xf32>
    %swap3A_52 = arith.constant 0 : index
    %swap3A_53 = arith.constant 0 : index
    %swap3A_54 = vector.load %arg8[%swap3A_52, %swap3A_53] : memref<640x8xf32, #tpu.memory_space<vmem>>, vector<640x8xf32>
    tpu.vector_store %arg8[%swap3A_52, %swap3A_53], %broadcast_in_dim3A_51 {strides = array<i32>} : memref<640x8xf32, #tpu.memory_space<vmem>>, vector<640x8xf32>,
    return
  }
  func.func @transform_0(%arg0: i32) -> (i32, i32) {
    %c0_i32 = arith.constant 0 : i32
    %c0_i32_0 = arith.constant 0 : i32
    return %arg0, %c0_i32 : i32, i32
  }
  func.func @transform_1(%arg0: i32) -> (i32, i32, i32) {
    %c0_i32 = arith.constant 0 : i32
    %c0_i32_0 = arith.constant 0 : i32
    %c0_i32_1 = arith.constant 0 : i32
    return %c0_i32, %arg0, %c0_i32_0 : i32, i32, i32
  }
  func.func @transform_2(%arg0: i32) -> (i32, i32) {
    %c0_i32 = arith.constant 0 : i32
    %c0_i32_0 = arith.constant 0 : i32
    %c0_i32_1 = arith.constant 0 : i32
    return %c0_i32, %c0_i32_0 : i32, i32
  }
  func.func @transform_3(%arg0: i32) -> (i32, i32) {
    %c0_i32 = arith.constant 0 : i32
    %c0_i32_0 = arith.constant 0 : i32
    %c0_i32_1 = arith.constant 0 : i32
    return %c0_i32, %c0_i32_0 : i32, i32
  }
  func.func @transform_4(%arg0: i32) -> (i32, i32) {
    %c0_i32 = arith.constant 0 : i32
    %c0_i32_0 = arith.constant 0 : i32
    %c0_i32_1 = arith.constant 0 : i32
    return %c0_i32, %c0_i32_0 : i32, i32
  }
  func.func @transform_5(%arg0: i32) -> (i32, i32) {
    %c0_i32 = arith.constant 0 : i32
    %c0_i32_0 = arith.constant 0 : i32
    return %arg0, %c0_i32 : i32, i32
  }
  func.func @transform_6(%arg0: i32) -> (i32, i32) {
    %c0_i32 = arith.constant 0 : i32
    %c0_i32_0 = arith.constant 0 : i32
    return %arg0, %c0_i32 : i32, i32
  }
  func.func @transform_7(%arg0: i32) -> (i32, i32) {
    %c0_i32 = arith.constant 0 : i32
    %c0_i32_0 = arith.constant 0 : i32
    return %arg0, %c0_i32 : i32, i32
  }
}

module attributes {stable_mosaic.version = 14 : i64} {
  func.func @body(%arg0: i32, %arg1: memref<640x64xf32, #tpu.memory_space<vmem>>, %arg2: memref<2x640x64xf32, #tpu.memory_space<vmem>>, %arg3: memref<640x8xf32, #tpu.memory_space<vmem>>, %arg4: memref<1x64xf32, #tpu.memory_space<vmem>>, %arg5: memref<640x64xf32, #tpu.memory_space<vmem>>) attributes {dimension_semantics = [#tpu.dimension_semantics<arbitrary>], iteration_bounds = array<i64: 16>, scalar_prefetch = 0 : i64, scratch_operands = 0 : i64, tpu.core_type = #tpu.core_type<tc>, window_params = [{transform_indices = @transform_0, window_bounds = array<i64: 640, 64>}, {transform_indices = @transform_1, window_bounds = array<i64: 2, 640, 64>}, {transform_indices = @transform_2, window_bounds = array<i64: 640, 8>}, {pipeline_mode = #tpu.pipeline_mode<synchronous>, transform_indices = @transform_3, window_bounds = array<i64: 1, 64>}, {transform_indices = @transform_4, window_bounds = array<i64: 640, 64>}]} {
    %get3A = arith.constant 0 : index
    %get3A_0 = arith.constant 0 : index
    %get3A_1 = arith.constant 0 : index
    %get3A_2 = vector.load %arg2[%get3A, %get3A_0, %get3A_1] : memref<2x640x64xf32, #tpu.memory_space<vmem>>, vector<1x640x64xf32>
    %get3A_3 = vector.shape_cast %get3A_2 : vector<1x640x64xf32> to vector<640x64xf32>
    %get3A_4 = arith.constant 1 : index
    %get3A_5 = arith.constant 0 : index
    %get3A_6 = arith.constant 0 : index
    %get3A_7 = vector.load %arg2[%get3A_4, %get3A_5, %get3A_6] : memref<2x640x64xf32, #tpu.memory_space<vmem>>, vector<1x640x64xf32>
    %get3A_8 = vector.shape_cast %get3A_7 : vector<1x640x64xf32> to vector<640x64xf32>
    %add3A = arith.addf %get3A_3, %get3A_8 : vector<640x64xf32>
    %get3A_9 = arith.constant 0 : index
    %get3A_10 = arith.constant 0 : index
    %get3A_11 = vector.load %arg1[%get3A_9, %get3A_10] : memref<640x64xf32, #tpu.memory_space<vmem>>, vector<640x64xf32>
    %get3A_12 = arith.constant 0 : index
    %get3A_13 = arith.constant 0 : index
    %get3A_14 = vector.load %arg3[%get3A_12, %get3A_13] : memref<640x8xf32, #tpu.memory_space<vmem>>, vector<640x1xf32>
    %mul3A = vector.broadcast %get3A_14 : vector<640x1xf32> to vector<640x64xf32>
    %mul3A_15 = arith.mulf %add3A, %mul3A : vector<640x64xf32>
    %add3A_16 = arith.addf %get3A_11, %mul3A_15 : vector<640x64xf32>
    %get3A_17 = arith.constant 0 : index
    %get3A_18 = arith.constant 0 : index
    %get3A_19 = vector.load %arg4[%get3A_17, %get3A_18] : memref<1x64xf32, #tpu.memory_space<vmem>>, vector<1x64xf32>
    %add3A_20 = vector.broadcast %get3A_19 : vector<1x64xf32> to vector<640x64xf32>
    %add3A_21 = arith.addf %add3A_16, %add3A_20 : vector<640x64xf32>
    %swap3A = arith.constant 0 : index
    %swap3A_22 = arith.constant 0 : index
    %swap3A_23 = vector.load %arg5[%swap3A, %swap3A_22] : memref<640x64xf32, #tpu.memory_space<vmem>>, vector<640x64xf32>
    tpu.vector_store %arg5[%swap3A, %swap3A_22], %add3A_21 {strides = array<i32>} : memref<640x64xf32, #tpu.memory_space<vmem>>, vector<640x64xf32>,
    return
  }
  func.func @transform_0(%arg0: i32) -> (i32, i32) {
    %c0_i32 = arith.constant 0 : i32
    %c0_i32_0 = arith.constant 0 : i32
    return %arg0, %c0_i32 : i32, i32
  }
  func.func @transform_1(%arg0: i32) -> (i32, i32, i32) {
    %c0_i32 = arith.constant 0 : i32
    %c0_i32_0 = arith.constant 0 : i32
    %c0_i32_1 = arith.constant 0 : i32
    return %c0_i32, %arg0, %c0_i32_0 : i32, i32, i32
  }
  func.func @transform_2(%arg0: i32) -> (i32, i32) {
    %c0_i32 = arith.constant 0 : i32
    %c0_i32_0 = arith.constant 0 : i32
    return %arg0, %c0_i32 : i32, i32
  }
  func.func @transform_3(%arg0: i32) -> (i32, i32) {
    %c0_i32 = arith.constant 0 : i32
    %c0_i32_0 = arith.constant 0 : i32
    %c0_i32_1 = arith.constant 0 : i32
    return %c0_i32, %c0_i32_0 : i32, i32
  }
  func.func @transform_4(%arg0: i32) -> (i32, i32) {
    %c0_i32 = arith.constant 0 : i32
    %c0_i32_0 = arith.constant 0 : i32
    return %arg0, %c0_i32 : i32, i32
  }
}

</mosaic_0001>

<sc_bundles>
// kernel: kernel.10.cloned.1.call-start
scs
__scs_entry_jumppad:
0x0: {  	(pc) =	sbr.rel $0x88, $3  }
0x1: {  	(tag) =	ssettag $0x0;
	lr =	simm.s32 $0x1  }
0x2: {  	[smem:$0x3F99] =	sst lr;
	_ =	strace $0xD0000000  }
0x3: {  	_ = 	snop  }
0x4: {  	_ = 	snop  }
0x5: {  	_ = 	snop  }
0x6: {  	_ = 	snop  }
0x7: {  	_ = 	snop  }
__scs_overlays_trampoline_lowered:
0x8: {  	[smem:$0x3FA8] =	sst s0  }
0x9: {  	[smem:$0x3FA9] =	sst s1  }
0xa: {  	[smem:$0x3FAA] =	sst s2  }
0xb: {  	[smem:$0x3FAB] =	sst s3  }
0xc: {  	[smem:$0x3FAC] =	sst s4  }
0xd: {  	[smem:$0x3FAD] =	sst s5  }
0xe: {  	[smem:$0x3FAE] =	sst s6  }
0xf: {  	[smem:$0x3FAF] =	sst s7  }
0x10: {  	[smem:$0x3FB0] =	sst s8  }
0x11: {  	[smem:$0x3FB1] =	sst s9;
	s0 =	simm.s32 @!p0 $0x0  }
0x12: {  	s1 =	sld [smem:$0x3F97];
	s0 =	simm.s32 @p0 $0x1  }
0x13: {  	[smem:$0x3FB2] =	sst s0;
	s0 =	simm.s32 @!p1 $0x0  }
0x14: {  	s2 =	sld [smem:$0x3F96];
	s0 =	simm.s32 @p1 $0x1  }
0x15: {  	[smem:$0x3FB3] =	sst s0;
	s0 =	simm.s32 @!p2 $0x0  }
0x16: {  	s3 =	sld [smem:$0x3FDB];
	s0 =	simm.s32 @p2 $0x1  }
0x17: {  	s4 =	simm.s32 $0x1BF5;
	[smem:$0x3FB5] =	sst s0  }
0x18: {  	s0 =	sld [smem:$0x3F98];
	_ =	swait.ge [sflag:s4], $0x0  }
0x19: {  	s7 =	sld [smem:$0x3F99]  }
0x1a: {  	s8 =	sadd.s32 $0xFFFFE003, lr  }
0x1b: {  	s9 =	sadd.s32 $0xFFFFFEF7, lr;
	s5 =	simm.s32 $0xFFFFFFFF;
	p2 =	slt.u32 s8, $0xFFFFF086  }
0x1c: {  	p1 =	slt.u32 s9, $0xF7A;
	s5 =	simm.s32 @!p2 $0x0  }
0x1d: {  	s5 =	simm.s32 @p1 $0x1;
	p0 =	seq.s32 s7, s2  }
0x1e: {  	s7 =	smul.u32 @!p0 $0xF7A, s2;
	p2 =	seq.s32 @!p0 s5, $0x0  }
0x1f: {  	s9 =	smul.u32 $0xF7A, s1;
	s8 =	simm.s32 @!p0 $0x1BF5;
	p2 =	por !p2, p0  }
0x20: {  	[sflag:s8] =	ssyncset.s32 @!p0 $0xFFFFF086;
	s6 =	sadd.s32 @!p0 s3, s7;
	s7 =	simm.s32 @!p0 $0x108  }
0x21: {  	s3 =	sadd.s32 s3, s9;
	s6 =	sadd.s32 @!p0 $0x88, s6;
	s7 =	simm.s32 @p2 $0x1082  }
0x22: {  	[simem:s7], [sflag:s8] =	dma.local @!p0 [hbm:s6], $0xF7A  }
0x23: {  	s9 =	sor.u32 $0xD0000000, s2;
	s6 =	simm.s32 $0x108;
	_ =	swait.ge @!p0 [sflag:s8], $0x0  }
0x24: {  	s3 =	sadd.s32 $0x88, s3;
	s6 =	simm.s32 @!p1 $0x1082;
	[sflag:s4] =	ssyncset.s32 $0xFFFFF086  }
0x25: {  	[simem:s6], [sflag:s4] =	dma.local [hbm:s3], $0xF7A  }
0x26: {  	[smem:$0x3F99] =	sst s1;
	(tag) =	ssettag s2;
	_ =	strace s9  }
0x27: {  	s1 =	sld [smem:$0x3FA9]  }
0x28: {  	s2 =	sld [smem:$0x3FAA]  }
0x29: {  	s4 =	sld [smem:$0x3FAC]  }
0x2a: {  	p0 =	seq.s32 s5, $0x0;
	s5 =	sld [smem:$0x3FAD]  }
0x2b: {  	s6 =	sld [smem:$0x3FAE]  }
0x2c: {  	s7 =	sld [smem:$0x3FAF]  }
0x2d: {  	s3 =	simm.s32 $0x108;
	s8 =	sld [smem:$0x3FB0]  }
0x2e: {  	s3 =	simm.s32 @!p0 $0x1082;
	s9 =	sld [smem:$0x3FB1]  }
0x2f: {  	lr =	sadd.s32 s0, s3;
	s0 =	sld [smem:$0x3FA8]  }
0x30: {  	s3 =	sld [smem:$0x3FAB]  }
0x31: {  	[smem:$0x3FB4] =	sst s10  }
0x32: {  	s10 =	sld [smem:$0x3FB2];
	_ =	sdelay $0x3  }
0x33: {  	p0 =	seq.s32 s10, $0x1;
	s10 =	sld [smem:$0x3FB4];
	_ =	sdelay $0x3  }
0x34: {  	[smem:$0x3FB4] =	sst s10  }
0x35: {  	s10 =	sld [smem:$0x3FB3];
	_ =	sdelay $0x3  }
0x36: {  	p1 =	seq.s32 s10, $0x1;
	s10 =	sld [smem:$0x3FB4];
	_ =	sdelay $0x3  }
0x37: {  	[smem:$0x3FB4] =	sst s10  }
0x38: {  	s10 =	sld [smem:$0x3FB5]  }
0x39: {  	_ = 	snop;
	(pc) =	sbr.ind lr, $3  }
0x3a: {  	_ = 	snop  }
0x3b: {  	_ = 	snop  }
0x3c: {  	p2 =	seq.s32 s10, $0x1;
	s10 =	sld [smem:$0x3FB4]  }
0x3d: {  	_ =	shalt  }
0x3e: {  	_ =	shalt  }
0x3f: {  	_ =	shalt  }
0x40: {  	_ =	shalt  }
0x41: {  	_ =	shalt  }
0x42: {  	_ =	shalt  }
0x43: {  	_ =	shalt  }
0x44: {  	_ =	shalt  }
0x45: {  	_ =	shalt  }
0x46: {  	_ =	shalt  }
0x47: {  	_ =	shalt  }
0x48: {  	_ =	shalt  }
0x49: {  	_ =	shalt  }
0x4a: {  	_ =	shalt  }
0x4b: {  	_ =	shalt  }
0x4c: {  	_ =	shalt  }
0x4d: {  	_ =	shalt  }
0x4e: {  	_ =	shalt  }
0x4f: {  	_ =	shalt  }
0x50: {  	_ =	shalt  }
0x51: {  	_ =	shalt  }
0x52: {  	_ =	shalt  }
0x53: {  	_ =	shalt  }
0x54: {  	_ =	shalt  }
0x55: {  	_ =	shalt  }
0x56: {  	_ =	shalt  }
0x57: {  	_ =	shalt  }
0x58: {  	_ =	shalt  }
0x59: {  	_ =	shalt  }
0x5a: {  	_ =	shalt  }
0x5b: {  	_ =	shalt  }
0x5c: {  	_ =	shalt  }
0x5d: {  	_ =	shalt  }
0x5e: {  	_ =	shalt  }
0x5f: {  	_ =	shalt  }
0x60: {  	_ =	shalt  }
0x61: {  	_ =	shalt  }
0x62: {  	_ =	shalt  }
0x63: {  	_ =	shalt  }
0x64: {  	_ =	shalt  }
0x65: {  	_ =	shalt  }
0x66: {  	_ =	shalt  }
0x67: {  	_ =	shalt  }
0x68: {  	_ =	shalt  }
0x69: {  	_ =	shalt  }
0x6a: {  	_ =	shalt  }
0x6b: {  	_ =	shalt  }
0x6c: {  	_ =	shalt  }
0x6d: {  	_ =	shalt  }
0x6e: {  	_ =	shalt  }
0x6f: {  	_ =	shalt  }
0x70: {  	_ =	shalt  }
0x71: {  	_ =	shalt  }
0x72: {  	_ =	shalt  }
0x73: {  	_ =	shalt  }
0x74: {  	_ =	shalt  }
0x75: {  	_ =	shalt  }
0x76: {  	_ =	shalt  }
0x77: {  	_ =	shalt  }
0x78: {  	_ =	shalt  }
0x79: {  	_ =	shalt  }
0x7a: {  	_ =	shalt  }
0x7b: {  	_ =	shalt  }
0x7c: {  	_ =	shalt  }
0x7d: {  	_ =	shalt  }
0x7e: {  	_ =	shalt  }
0x7f: {  	_ =	shalt  }
0x80: {  	_ =	shalt  }
0x81: {  	_ =	shalt  }
0x82: {  	_ =	shalt  }
0x83: {  	_ =	shalt  }
0x84: {  	_ =	shalt  }
0x85: {  	_ =	shalt  }
0x86: {  	_ =	shalt  }
0x87: {  	_ =	shalt  }
.Lfunc_end0:
.L_simem_size_0:
called_computation.1_lowered:
.L_overlay_start_0:
0x88: {  	s2 =	sld [smem:$0x3FD9]  }
0x89: {  	s3 =	sld [smem:$0x3FFE];
	_ =	sdelay $0x1  }
0x8a: {  	s1 =	srdreg.scid  }
0x8b: {  	s0 =	sand.u32 $0x1, s1  }
0x8c: {  	s17 =	sshll.u32 s0, $0xA;
	s2 =	sadd.s32 s3, s2  }
0x8d: {  	s2 =	sadd.s32 s2, s17  }
0x8e: {  	[smem:$0x3FC0] =	sst s2  }
0x8f: {  	_ = 	snop  }
0x90: {  	s2 =	sld [smem:$0x3FD0];
	(tm) =	ssettm $0x1  }
0x91: {  	s18 =	sld [smem:$0x3FFB];
	_ =	sdelay $0x3  }
0x92: {  	_ =	strace s18  }
0x93: {  	s3 =	sld [smem:$0x3FFC];
	_ =	sdelay $0x3  }
0x94: {  	_ =	strace s3  }
0x95: {  	s3 =	sld [smem:$0x3FFD];
	_ =	sdelay $0x3  }
0x96: {  	_ =	strace s3  }
0x97: {  	_ =	strace $0x8FFFFFFF  }
0x98: {  	s19 =	sld [smem:$0x3FDB];
	_ =	sdelay $0x1  }
0x99: {  	s4 =	simm.s32 $_scs_section_size  }
0x9a: {  	s5 =	simm.s32 $_size__tile_overlayer_lowered;
	s6 =	simm.s32 $_tile_overlayer_lowered  }
0x9b: {  	s22 =	simm.s32 $0x1BFF;
	s21 =	sshll.u32 s6, $0x1;
	s3 =	sadd.s32 s4, s19  }
0x9c: {  	s7 =	simm.s32 $0x0;
	s20 =	sshll.u32 s5, $0x1;
	s5 =	sadd.s32 s21, s3  }
0x9d: {  	[timem:s7], [sflag:s22] =	dma.local [hbm:s5], s20  }
0x9e: {  	_ =	swait.ge [sflag:s22], s20  }
0x9f: {  	s4 =	ssub.s32 $0x0, s20;
	[sflag:s22] =	ssyncset.done $0x0  }
0xa0: {  	[sflag:s22] =	ssyncadd.s32 s4;
	_ =	sdelay $0x1  }
0xa1: {  	s23 =	simm.s32 $0x1B8B  }
0xa2: {  	_ =	swait.ge [sflag:s23], $0x1  }
0xa3: {  	[sflag:s23] =	ssyncset.done $0x0  }
0xa4: {  	s25 =	simm.s32 $0x1B8E;
	s24 =	sld [smem:$0x3FFE];
	[sflag:s23] =	ssyncadd.s32 $0xFFFFFFFF  }
0xa5: {  	s26 =	simm.s32 $execute0_lowered;
	[smem:$0x3FD2] =	sst s25  }
0xa6: {  	s5 =	sshll.u32 s26, $0x1;
	_ =	strace $0x80000049;
	[dreg:$0x1] =	wrdreg $0xFFFFFFFF  }
0xa7: {  	s28 =	simm.s32 $_size_execute0_lowered;
	s3 =	sadd.s32 s3, s5;
	[dreg:$0x0] =	wrdreg $0x0  }
0xa8: {  	s5 =	sshll.u32 s28, $0x1;
	[dreg:$0x2] =	wrdreg s3  }
0xa9: {  	[dreg:$0x3] =	wrdreg s5  }
0xaa: {  	[dreg:$0x4] =	wrdreg $0xC0  }
0xab: {  	_ =	task [dreg:s7], $0x5FFFF  }
0xac: {  	[dreg:$0x1] =	wrdreg $0xFFFFFFFF  }
0xad: {  	[dreg:$0x0] =	wrdreg $0x60  }
0xae: {  	[dreg:$0x2] =	wrdreg s24  }
0xaf: {  	[dreg:$0x3] =	wrdreg s2  }
0xb0: {  	[dreg:$0x4] =	wrdreg $0xA4000  }
0xb1: {  	[dreg:$0x5] =	wrdreg $0x9  }
0xb2: {  	_ =	task.clear_ibuf [dreg:s7], $0x6FFFF;
	_ =	strace $0x90000049  }
0xb3: {  	s29 =	simm.s32 $0x9;
	_ =	strace $0x8000004B  }
0xb4: {  	_ =	swait.ge [sflag:s29], $0x1  }
0xb5: {  	[sflag:s29] =	ssyncadd.s32 $0xFFFFFFFF  }
0xb6: {  	_ =	strace $0x9000004B  }
0xb7: {  	_ =	sfence  }
0xb8: {  	s30 =	sld [smem:$0x0];
	_ =	sdelay $0x2  }
0xb9: {  	s31 =	sshll.u32 s1, $0xD;
	s1 =	sshrl.u32 s1, $0x2  }
0xba: {  	s3 =	sand.u32 $0x4000, s31;
	s1 =	sadd.s32 s1, s30  }
0xbb: {  	s0 =	sor.u32 s3, s0;
	s1 =	sshll.u32 s1, $0x11  }
0xbc: {  	s0 =	sor.u32 s1, s0  }
0xbd: {  	s0 =	sadd.s32 $0x8F2B, s0  }
0xbe: {  	[sflag:s0] =	ssyncadd.remote.s32 $0x1  }
0xbf: {  	_ =	sfence.sel $0xFFFF  }
0xc0: {  	[dreg:$0x0] =	wrdreg $0xFFFFFFFF;
	(pc) =	sbr.abs _section_cstart, $3  }
0xc1: {  	[dreg:$0x1] =	wrdreg $0xFFFFFFFF  }
0xc2: {  	_ =	task.clear_ibuf [dreg:s7], $0x2FFFF;
	_ =	strace $0x9FFFFFFF  }
0xc3: {  	(tm) =	ssettm $0x7FFFFFFF  }
tec
execute0_lowered:
.L_overlay_start_1:
0x0: {  	(tag) =	ssettag $0x1  }
0x1: {  	s6 =	rddreg [dreg:$0x0]  }
0x2: {  	s11 =	rddreg [dreg:$0x1]  }
0x3: {  	s2 =	rddreg [dreg:$0x2]  }
0x4: {  	s0 =	rddreg [dreg:$0x3];
	s3 =	simm.s32 $0x0  }
0x5: {  	s1 =	stileid.u32;
	s5 =	srdreg.scid;
	s17 =	simm.s32 $0x80  }
0x6: {  	s18 =	simm.s32 $0x6400;
	s19 =	simm.s32 $0x8400;
	s20 =	simm.s32 $0x1  }
0x7: {  	s21 =	simm.s32 $0x2;
	s22 =	simm.s32 $0x0;
	[smem:$0x7FF] =	sst s3  }
0x8: {  	s7 =	smul.u32 $0xA000, s1;
	s4 =	sadd.s32 $0xBA00, s6;
	s10 =	sadd.s32 $0x1C00, s6  }
0x9: {  	s8 =	sand.u32 $0x1, s5;
	s5 =	sadd.s32 $0x1FA00, s6;
	s29 =	smul.u32 $0x3200, s1  }
0xa: {  	s30 =	sshll.u32 s1, $0x6;
	s31 =	smul.u32 $0x390, s1;
	_ =	strace $0x8000004A  }
0xb: {  	s12 =	ssub.s32 $0x2, s8;
	p0 =	seq.s32 s8, $0x1;
	s9 =	sshrl.u32 s7, $0x3  }
0xc: {  	s28 =	sshrl.u32 s12, $0x1;
	s15 =	sadd.s32 s7, s2;
	s7 =	sadd.s32 s10, s31  }
.Ltmp0:
0xd: {  	s8 =	sadd.s32 s11, s31;
	s13 =	sadd.s32 s9, s6;
	(pc) =	sbr.rel .LBB2_1-.Ltmp0, $4  }
0xe: {  	s14 =	ssub.s32 s12, s28;
	s6 =	sor.u32 $0x1C03, s30;
	s9 =	sshrl.u32 s29, $0x3  }
0xf: {  	s16 =	sadd.s32 $0x3900, s9;
	s9 =	sadd.s32 $0x20E00, s13;
	s12 =	sadd.s32 $0x34E00, s13  }
0x10: {  	s13 =	smax.u32 s14, $0x1;
	s14 =	sshrl.u32 s15, $0x3;
	s15 =	simm.s32 $0x3  }
0x11: {  	s10 =	sadd.s32 s10, s16;
	s11 =	sadd.s32 s11, s16;
	s16 =	simm.s32 $0x3200  }
.LBB2_4:
0x12: {  	s24 =	smov.u32 s9  }
.LBB2_5:
0x13: {  	s23 =	sshll.u32 s23, $0x7  }
0x14: {  	s23 =	sand.u32 $0x3FFFFF80, s23  }
0x15: {  	s23 =	sadd.s32 $0x3200, s23  }
0x16: {  	[spmem:s2] =	stream.indirect.scatter.add.f32 [tilespmem:s26], [sflag:$0x2], $0x40, s23, s17, $0xb8;
	[tilespmem:$0x14400] =	vst v63  }
.LBB2_13:
0x17: {  	_ =	swait.ge [sflag:s21], $0x2000  }
0x18: {  	s22 =	sadd.s32 $0x1, s22;
	[sflag:s21] =	ssyncset.done $0x0  }
0x19: {  	p1 =	sne.s32 s22, s13;
	[sflag:s21] =	ssyncadd.s32 $0xFFFFE000  }
.Ltmp1:
0x1a: {  	[bflag:$0x0] =	sbarrier.arrive $0xFFFF;
	(pc) =	sbr.rel @!p1 .LBB2_14-.Ltmp1, $4  }
0x1b: {  	[hbm:s24], [sflag:s6] =	dma.local [spmem:s14], $0x1400  }
0x1c: {  	_ =	swait.ge [sflag:s15], $0x1400  }
0x1d: {  	[sflag:s15] =	ssyncset.done $0x0  }
0x1e: {  	[sflag:s15] =	ssyncadd.s32 $0xFFFFEC00  }
.LBB2_1:
.Ltmp2:
0x1f: {  	(pc) =	sbr.rel @!p0 .LBB2_2-.Ltmp2, $4  }
0x20: {  	[spmem:s14], [sflag:s6] =	dma.local [hbm:s5], $0x1400  }
0x21: {  	_ =	swait.ge [sflag:s15], $0x1400  }
0x22: {  	[sflag:s15] =	ssyncset.done $0x0  }
0x23: {  	[sflag:s15] =	ssyncadd.s32 $0xFFFFEC00  }
0x24: {  	[tilespmem:s3], [sflag:$0x3] =	stream.linear.gather [hbm4b:s10+s3], $0x3200, $0x38;
	[tilespmem:$0x14400] =	vst v63  }
0x25: {  	_ =	swait.ge [sflag:s15], $0x3200  }
0x26: {  	[sflag:s15] =	ssyncset.done $0x0  }
0x27: {  	[sflag:s15] =	ssyncadd.s32 $0xFFFFCE00  }
0x28: {  	[tilespmem:s16], [sflag:$0x3] =	stream.linear.gather [hbm4b:s11+s3], $0x3200, $0x38;
	[tilespmem:$0x14400] =	vst v63  }
0x29: {  	_ =	swait.ge [sflag:s15], $0x3200  }
0x2a: {  	[sflag:s15] =	ssyncset.done $0x0  }
0x2b: {  	[sflag:s15] =	ssyncadd.s32 $0xFFFFCE00  }
0x2c: {  	s23 =	simm.s32 $0x1;
	[bflag:$0x0] =	sbarrier.arrive $0xFFFF  }
0x2d: {  	[tilespmem:s18], [sflag:$0x1] =	stream.indirect.gather [hbm4b:s4+s17], $0x40, s3, s17, $0xb8;
	[tilespmem:$0x14400] =	vst v63  }
0x2e: {  	_ =	swait.ge [sflag:s23], $0x2000  }
0x2f: {  	[sflag:s23] =	ssyncset.done $0x0  }
0x30: {  	[sflag:s23] =	ssyncadd.s32 $0xFFFFE000  }
0x31: {  	[tilespmem:s19], [sflag:$0x1] =	stream.indirect.gather [hbm4b:s4+s17], $0x40, s17, s17, $0xb8;
	[tilespmem:$0x14400] =	vst v63  }
0x32: {  	s24 =	simm.s32 $0x3280;
	s25 =	simm.s32 $0x10000;
	s28 =	simm.s32 $0x100  }
0x33: {  	[spmem:s2] =	stream.indirect.scatter.add.f32 [tilespmem:s18], [sflag:$0x2], $0x40, s16, s17, $0xb8;
	[tilespmem:$0x14400] =	vst v63  }
.LBB2_9:
0x34: {  	_ =	swait.ge [sflag:s20], $0x2000;
	p1 =	seq.s32 s25, $0x320000  }
.Ltmp3:
0x35: {  	[sflag:s20] =	ssyncset.done $0x0;
	(pc) =	sbr.rel @p1 .LBB2_10-.Ltmp3, $4  }
0x36: {  	s26 =	sadd.s32 $0xFFFF8000, s25;
	[sflag:s20] =	ssyncadd.s32 $0xFFFFE000  }
0x37: {  	s26 =	sand.u32 $0x8000, s26;
	_ =	swait.ge [sflag:s21], $0x2000  }
0x38: {  	s26 =	sshrl.u32 s26, $0x2;
	[sflag:s21] =	ssyncset.done $0x0  }
0x39: {  	s26 =	sadd.s32 $0x6400, s26;
	[sflag:s21] =	ssyncadd.s32 $0xFFFFE000  }
0x3a: {  	s29 =	sand.u32 $0x8000, s25;
	s25 =	sadd.s32 $0x8000, s25  }
0x3b: {  	s29 =	sshrl.u32 s29, $0x2;
	p1 =	seq.s32 s25, $0x328000  }
.Ltmp4:
0x3c: {  	s29 =	sadd.s32 $0x6400, s29;
	(pc) =	sbr.rel @!p1 .LBB2_9-.Ltmp4, $4  }
0x3d: {  	[tilespmem:s29], [sflag:$0x1] =	stream.indirect.gather [hbm4b:s4+s17], $0x40, s28, s17, $0xb8;
	[tilespmem:$0x14400] =	vst v63  }
0x3e: {  	_ = 	snop  }
0x3f: {  	[spmem:s2] =	stream.indirect.scatter.add.f32 [tilespmem:s26], [sflag:$0x2], $0x40, s24, s17, $0xb8;
	[tilespmem:$0x14400] =	vst v63  }
0x40: {  	s23 =	sadd.s32 $0x1, s23;
	s28 =	sadd.s32 $0x80, s28;
	s24 =	sadd.s32 $0x80, s24  }
.Ltmp5:
0x41: {  	(pc) =	sbr.rel .LBB2_13-.Ltmp5, $2  }
0x42: {  	_ =	sdelay $0x2  }
0x43: {  	s24 =	smov.u32 s12  }
.LBB2_2:
0x44: {  	[tilespmem:s3], [sflag:$0x3] =	stream.linear.gather [hbm4b:s7+s3], $0x1C80, $0x38;
	[tilespmem:$0x14400] =	vst v63  }
0x45: {  	_ =	swait.ge [sflag:s15], $0x1C80  }
0x46: {  	[sflag:s15] =	ssyncset.done $0x0  }
0x47: {  	[sflag:s15] =	ssyncadd.s32 $0xFFFFE380  }
0x48: {  	[tilespmem:s16], [sflag:$0x3] =	stream.linear.gather [hbm4b:s8+s3], $0x1C80, $0x38;
	[tilespmem:$0x14400] =	vst v63  }
0x49: {  	_ =	swait.ge [sflag:s15], $0x1C80  }
0x4a: {  	[sflag:s15] =	ssyncset.done $0x0  }
0x4b: {  	[sflag:s15] =	ssyncadd.s32 $0xFFFFE380  }
0x4c: {  	s23 =	simm.s32 $0x1;
	[bflag:$0x0] =	sbarrier.arrive $0xFFFF  }
0x4d: {  	[tilespmem:s18], [sflag:$0x1] =	stream.indirect.gather [hbm4b:s4+s17], $0x40, s3, s17, $0xb8;
	[tilespmem:$0x14400] =	vst v63  }
0x4e: {  	_ =	swait.ge [sflag:s23], $0x2000  }
0x4f: {  	[sflag:s23] =	ssyncset.done $0x0  }
0x50: {  	[sflag:s23] =	ssyncadd.s32 $0xFFFFE000  }
0x51: {  	[tilespmem:s19], [sflag:$0x1] =	stream.indirect.gather [hbm4b:s4+s17], $0x40, s17, s17, $0xb8;
	[tilespmem:$0x14400] =	vst v63  }
0x52: {  	s24 =	simm.s32 $0x3280;
	s25 =	simm.s32 $0x10000;
	s28 =	simm.s32 $0x100  }
0x53: {  	[spmem:s2] =	stream.indirect.scatter.add.f32 [tilespmem:s18], [sflag:$0x2], $0x40, s16, s17, $0xb8;
	[tilespmem:$0x14400] =	vst v63  }
.LBB2_3:
0x54: {  	_ =	swait.ge [sflag:s20], $0x2000;
	p1 =	seq.s32 s25, $0x1C8000  }
.Ltmp6:
0x55: {  	[sflag:s20] =	ssyncset.done $0x0;
	(pc) =	sbr.rel @p1 .LBB2_4-.Ltmp6, $4  }
0x56: {  	s26 =	sadd.s32 $0xFFFF8000, s25;
	[sflag:s20] =	ssyncadd.s32 $0xFFFFE000  }
0x57: {  	s26 =	sand.u32 $0x8000, s26;
	_ =	swait.ge [sflag:s21], $0x2000  }
0x58: {  	s26 =	sshrl.u32 s26, $0x2;
	[sflag:s21] =	ssyncset.done $0x0  }
0x59: {  	s26 =	sadd.s32 $0x6400, s26;
	[sflag:s21] =	ssyncadd.s32 $0xFFFFE000  }
0x5a: {  	s29 =	sand.u32 $0x8000, s25;
	s25 =	sadd.s32 $0x8000, s25  }
0x5b: {  	s29 =	sshrl.u32 s29, $0x2;
	p1 =	seq.s32 s25, $0x1D0000  }
.Ltmp7:
0x5c: {  	s29 =	sadd.s32 $0x6400, s29;
	(pc) =	sbr.rel @!p1 .LBB2_3-.Ltmp7, $4  }
0x5d: {  	[tilespmem:s29], [sflag:$0x1] =	stream.indirect.gather [hbm4b:s4+s17], $0x40, s28, s17, $0xb8;
	[tilespmem:$0x14400] =	vst v63  }
0x5e: {  	_ = 	snop  }
0x5f: {  	[spmem:s2] =	stream.indirect.scatter.add.f32 [tilespmem:s26], [sflag:$0x2], $0x40, s24, s17, $0xb8;
	[tilespmem:$0x14400] =	vst v63  }
0x60: {  	s23 =	sadd.s32 $0x1, s23;
	s28 =	sadd.s32 $0x80, s28;
	s24 =	sadd.s32 $0x80, s24  }
.Ltmp8:
0x61: {  	(pc) =	sbr.rel .LBB2_13-.Ltmp8, $2  }
0x62: {  	_ =	sdelay $0x2  }
0x63: {  	s24 =	smov.u32 s9  }
.LBB2_10:
.Ltmp9:
0x64: {  	(pc) =	sbr.rel .LBB2_5-.Ltmp9, $2  }
0x65: {  	_ =	sdelay $0x2  }
0x66: {  	s24 =	smov.u32 s12  }
.LBB2_14:
0x67: {  	_ =	sfence.sel $0x180000  }
0x68: {  	[bflag:$0x0] =	sbarrier.arrive $0xFFFF  }
0x69: {  	p0 =	sne.s32 s1, $0x0;
	_ =	strace $0x9000004A  }
0x6a: {  	s0 =	sadd.s32 @!p0 $0x100000, s0;
	[bflag:$0x2] =	sbarrier.arrive $0xFFFF  }
0x6b: {  	[sflag:s0] =	ssyncadd.tile.s32 @!p0 $0x1;
	_ =	shalt  }
.Lfunc_end2:
_tile_overlayer_lowered:
.L_overlay_start_2:
0x6c: {  	(tag) =	ssettag $0x2  }
0x6d: {  	s0 =	rddreg [dreg:$0x0];
	s2 =	stileid.u32  }
0x6e: {  	s1 =	rddreg [dreg:$0x1];
	p0 =	sne.s32 s2, $0x0  }
0x6f: {  	s3 =	rddreg [dreg:$0x2];
	[bflag:$0x3] =	sbarrier.arrive $0xFFFF;
	s2 =	simm.s32 @!p0 $0x1C03  }
0x70: {  	[timem:s3], [sflag:s2] =	dma.local @!p0 [hbm:s0], s1  }
0x71: {  	s0 =	simm.s32 @!p0 $0x3  }
0x72: {  	_ =	swait.ge @!p0 [sflag:s0], s1  }
0x73: {  	s1 =	ssub.s32 @!p0 $0x0, s1;
	[sflag:s0] =	ssyncset.done @!p0 $0x0  }
0x74: {  	[sflag:s0] =	ssyncadd.s32 @!p0 s1  }
0x75: {  	[bflag:$0x3] =	sbarrier.arrive $0xFFFF  }
0x76: {  	_ =	shalt  }

// kernel: kernel.7.cloned.1.call-start
scs
__scs_entry_jumppad:
0x0: {  	(pc) =	sbr.rel $0x88, $3  }
0x1: {  	(tag) =	ssettag $0x0;
	lr =	simm.s32 $0x1  }
0x2: {  	[smem:$0x3F99] =	sst lr;
	_ =	strace $0xD0000000  }
0x3: {  	_ = 	snop  }
0x4: {  	_ = 	snop  }
0x5: {  	_ = 	snop  }
0x6: {  	_ = 	snop  }
0x7: {  	_ = 	snop  }
__scs_overlays_trampoline_lowered:
0x8: {  	[smem:$0x3FA8] =	sst s0  }
0x9: {  	[smem:$0x3FA9] =	sst s1  }
0xa: {  	[smem:$0x3FAA] =	sst s2  }
0xb: {  	[smem:$0x3FAB] =	sst s3  }
0xc: {  	[smem:$0x3FAC] =	sst s4  }
0xd: {  	[smem:$0x3FAD] =	sst s5  }
0xe: {  	[smem:$0x3FAE] =	sst s6  }
0xf: {  	[smem:$0x3FAF] =	sst s7  }
0x10: {  	[smem:$0x3FB0] =	sst s8  }
0x11: {  	[smem:$0x3FB1] =	sst s9;
	s0 =	simm.s32 @!p0 $0x0  }
0x12: {  	s1 =	sld [smem:$0x3F97];
	s0 =	simm.s32 @p0 $0x1  }
0x13: {  	[smem:$0x3FB2] =	sst s0;
	s0 =	simm.s32 @!p1 $0x0  }
0x14: {  	s2 =	sld [smem:$0x3F96];
	s0 =	simm.s32 @p1 $0x1  }
0x15: {  	[smem:$0x3FB3] =	sst s0;
	s0 =	simm.s32 @!p2 $0x0  }
0x16: {  	s3 =	sld [smem:$0x3FDB];
	s0 =	simm.s32 @p2 $0x1  }
0x17: {  	s4 =	simm.s32 $0x1BF5;
	[smem:$0x3FB5] =	sst s0  }
0x18: {  	s0 =	sld [smem:$0x3F98];
	_ =	swait.ge [sflag:s4], $0x0  }
0x19: {  	s7 =	sld [smem:$0x3F99]  }
0x1a: {  	s8 =	sadd.s32 $0xFFFFE003, lr  }
0x1b: {  	s9 =	sadd.s32 $0xFFFFFEF7, lr;
	s5 =	simm.s32 $0xFFFFFFFF;
	p2 =	slt.u32 s8, $0xFFFFF086  }
0x1c: {  	p1 =	slt.u32 s9, $0xF7A;
	s5 =	simm.s32 @!p2 $0x0  }
0x1d: {  	s5 =	simm.s32 @p1 $0x1;
	p0 =	seq.s32 s7, s2  }
0x1e: {  	s7 =	smul.u32 @!p0 $0xF7A, s2;
	p2 =	seq.s32 @!p0 s5, $0x0  }
0x1f: {  	s9 =	smul.u32 $0xF7A, s1;
	s8 =	simm.s32 @!p0 $0x1BF5;
	p2 =	por !p2, p0  }
0x20: {  	[sflag:s8] =	ssyncset.s32 @!p0 $0xFFFFF086;
	s6 =	sadd.s32 @!p0 s3, s7;
	s7 =	simm.s32 @!p0 $0x108  }
0x21: {  	s3 =	sadd.s32 s3, s9;
	s6 =	sadd.s32 @!p0 $0x88, s6;
	s7 =	simm.s32 @p2 $0x1082  }
0x22: {  	[simem:s7], [sflag:s8] =	dma.local @!p0 [hbm:s6], $0xF7A  }
0x23: {  	s9 =	sor.u32 $0xD0000000, s2;
	s6 =	simm.s32 $0x108;
	_ =	swait.ge @!p0 [sflag:s8], $0x0  }
0x24: {  	s3 =	sadd.s32 $0x88, s3;
	s6 =	simm.s32 @!p1 $0x1082;
	[sflag:s4] =	ssyncset.s32 $0xFFFFF086  }
0x25: {  	[simem:s6], [sflag:s4] =	dma.local [hbm:s3], $0xF7A  }
0x26: {  	[smem:$0x3F99] =	sst s1;
	(tag) =	ssettag s2;
	_ =	strace s9  }
0x27: {  	s1 =	sld [smem:$0x3FA9]  }
0x28: {  	s2 =	sld [smem:$0x3FAA]  }
0x29: {  	s4 =	sld [smem:$0x3FAC]  }
0x2a: {  	p0 =	seq.s32 s5, $0x0;
	s5 =	sld [smem:$0x3FAD]  }
0x2b: {  	s6 =	sld [smem:$0x3FAE]  }
0x2c: {  	s7 =	sld [smem:$0x3FAF]  }
0x2d: {  	s3 =	simm.s32 $0x108;
	s8 =	sld [smem:$0x3FB0]  }
0x2e: {  	s3 =	simm.s32 @!p0 $0x1082;
	s9 =	sld [smem:$0x3FB1]  }
0x2f: {  	lr =	sadd.s32 s0, s3;
	s0 =	sld [smem:$0x3FA8]  }
0x30: {  	s3 =	sld [smem:$0x3FAB]  }
0x31: {  	[smem:$0x3FB4] =	sst s10  }
0x32: {  	s10 =	sld [smem:$0x3FB2];
	_ =	sdelay $0x3  }
0x33: {  	p0 =	seq.s32 s10, $0x1;
	s10 =	sld [smem:$0x3FB4];
	_ =	sdelay $0x3  }
0x34: {  	[smem:$0x3FB4] =	sst s10  }
0x35: {  	s10 =	sld [smem:$0x3FB3];
	_ =	sdelay $0x3  }
0x36: {  	p1 =	seq.s32 s10, $0x1;
	s10 =	sld [smem:$0x3FB4];
	_ =	sdelay $0x3  }
0x37: {  	[smem:$0x3FB4] =	sst s10  }
0x38: {  	s10 =	sld [smem:$0x3FB5]  }
0x39: {  	_ = 	snop;
	(pc) =	sbr.ind lr, $3  }
0x3a: {  	_ = 	snop  }
0x3b: {  	_ = 	snop  }
0x3c: {  	p2 =	seq.s32 s10, $0x1;
	s10 =	sld [smem:$0x3FB4]  }
0x3d: {  	_ =	shalt  }
0x3e: {  	_ =	shalt  }
0x3f: {  	_ =	shalt  }
0x40: {  	_ =	shalt  }
0x41: {  	_ =	shalt  }
0x42: {  	_ =	shalt  }
0x43: {  	_ =	shalt  }
0x44: {  	_ =	shalt  }
0x45: {  	_ =	shalt  }
0x46: {  	_ =	shalt  }
0x47: {  	_ =	shalt  }
0x48: {  	_ =	shalt  }
0x49: {  	_ =	shalt  }
0x4a: {  	_ =	shalt  }
0x4b: {  	_ =	shalt  }
0x4c: {  	_ =	shalt  }
0x4d: {  	_ =	shalt  }
0x4e: {  	_ =	shalt  }
0x4f: {  	_ =	shalt  }
0x50: {  	_ =	shalt  }
0x51: {  	_ =	shalt  }
0x52: {  	_ =	shalt  }
0x53: {  	_ =	shalt  }
0x54: {  	_ =	shalt  }
0x55: {  	_ =	shalt  }
0x56: {  	_ =	shalt  }
0x57: {  	_ =	shalt  }
0x58: {  	_ =	shalt  }
0x59: {  	_ =	shalt  }
0x5a: {  	_ =	shalt  }
0x5b: {  	_ =	shalt  }
0x5c: {  	_ =	shalt  }
0x5d: {  	_ =	shalt  }
0x5e: {  	_ =	shalt  }
0x5f: {  	_ =	shalt  }
0x60: {  	_ =	shalt  }
0x61: {  	_ =	shalt  }
0x62: {  	_ =	shalt  }
0x63: {  	_ =	shalt  }
0x64: {  	_ =	shalt  }
0x65: {  	_ =	shalt  }
0x66: {  	_ =	shalt  }
0x67: {  	_ =	shalt  }
0x68: {  	_ =	shalt  }
0x69: {  	_ =	shalt  }
0x6a: {  	_ =	shalt  }
0x6b: {  	_ =	shalt  }
0x6c: {  	_ =	shalt  }
0x6d: {  	_ =	shalt  }
0x6e: {  	_ =	shalt  }
0x6f: {  	_ =	shalt  }
0x70: {  	_ =	shalt  }
0x71: {  	_ =	shalt  }
0x72: {  	_ =	shalt  }
0x73: {  	_ =	shalt  }
0x74: {  	_ =	shalt  }
0x75: {  	_ =	shalt  }
0x76: {  	_ =	shalt  }
0x77: {  	_ =	shalt  }
0x78: {  	_ =	shalt  }
0x79: {  	_ =	shalt  }
0x7a: {  	_ =	shalt  }
0x7b: {  	_ =	shalt  }
0x7c: {  	_ =	shalt  }
0x7d: {  	_ =	shalt  }
0x7e: {  	_ =	shalt  }
0x7f: {  	_ =	shalt  }
0x80: {  	_ =	shalt  }
0x81: {  	_ =	shalt  }
0x82: {  	_ =	shalt  }
0x83: {  	_ =	shalt  }
0x84: {  	_ =	shalt  }
0x85: {  	_ =	shalt  }
0x86: {  	_ =	shalt  }
0x87: {  	_ =	shalt  }
.Lfunc_end0:
.L_simem_size_0:
called_computation_lowered:
.L_overlay_start_0:
0x88: {  	s2 =	sld [smem:$0x3FD9]  }
0x89: {  	s3 =	sld [smem:$0x3FFE];
	_ =	sdelay $0x1  }
0x8a: {  	s1 =	srdreg.scid  }
0x8b: {  	s0 =	sand.u32 $0x1, s1  }
0x8c: {  	s17 =	sshll.u32 s0, $0xA;
	s2 =	sadd.s32 s3, s2  }
0x8d: {  	s2 =	sadd.s32 s2, s17  }
0x8e: {  	[smem:$0x3FC0] =	sst s2  }
0x8f: {  	_ = 	snop  }
0x90: {  	s2 =	sld [smem:$0x3FD0];
	(tm) =	ssettm $0x1  }
0x91: {  	s18 =	sld [smem:$0x3FFB];
	_ =	sdelay $0x3  }
0x92: {  	_ =	strace s18  }
0x93: {  	s3 =	sld [smem:$0x3FFC];
	_ =	sdelay $0x3  }
0x94: {  	_ =	strace s3  }
0x95: {  	s3 =	sld [smem:$0x3FFD];
	_ =	sdelay $0x3  }
0x96: {  	_ =	strace s3  }
0x97: {  	_ =	strace $0x8FFFFFFF  }
0x98: {  	s19 =	sld [smem:$0x3FDB];
	_ =	sdelay $0x1  }
0x99: {  	s4 =	simm.s32 $_scs_section_size  }
0x9a: {  	s5 =	simm.s32 $_size__tile_overlayer_lowered;
	s6 =	simm.s32 $_tile_overlayer_lowered  }
0x9b: {  	s22 =	simm.s32 $0x1BFF;
	s21 =	sshll.u32 s6, $0x1;
	s3 =	sadd.s32 s4, s19  }
0x9c: {  	s7 =	simm.s32 $0x0;
	s20 =	sshll.u32 s5, $0x1;
	s5 =	sadd.s32 s21, s3  }
0x9d: {  	[timem:s7], [sflag:s22] =	dma.local [hbm:s5], s20  }
0x9e: {  	_ =	swait.ge [sflag:s22], s20  }
0x9f: {  	s4 =	ssub.s32 $0x0, s20;
	[sflag:s22] =	ssyncset.done $0x0  }
0xa0: {  	[sflag:s22] =	ssyncadd.s32 s4;
	_ =	sdelay $0x1  }
0xa1: {  	s23 =	simm.s32 $0x1B8B  }
0xa2: {  	_ =	swait.ge [sflag:s23], $0x1  }
0xa3: {  	[sflag:s23] =	ssyncset.done $0x0  }
0xa4: {  	s25 =	simm.s32 $0x1B8E;
	s24 =	sld [smem:$0x3FFE];
	[sflag:s23] =	ssyncadd.s32 $0xFFFFFFFF  }
0xa5: {  	s26 =	simm.s32 $execute0_lowered;
	[smem:$0x3FD2] =	sst s25  }
0xa6: {  	s5 =	sshll.u32 s26, $0x1;
	_ =	strace $0x80000046;
	[dreg:$0x1] =	wrdreg $0xFFFFFFFF  }
0xa7: {  	s28 =	simm.s32 $_size_execute0_lowered;
	s3 =	sadd.s32 s3, s5;
	[dreg:$0x0] =	wrdreg $0x0  }
0xa8: {  	s5 =	sshll.u32 s28, $0x1;
	[dreg:$0x2] =	wrdreg s3  }
0xa9: {  	[dreg:$0x3] =	wrdreg s5  }
0xaa: {  	[dreg:$0x4] =	wrdreg $0xC0  }
0xab: {  	_ =	task [dreg:s7], $0x5FFFF  }
0xac: {  	[dreg:$0x1] =	wrdreg $0xFFFFFFFF  }
0xad: {  	[dreg:$0x0] =	wrdreg $0x60  }
0xae: {  	[dreg:$0x2] =	wrdreg s24  }
0xaf: {  	[dreg:$0x3] =	wrdreg s2  }
0xb0: {  	[dreg:$0x4] =	wrdreg $0xB4000  }
0xb1: {  	[dreg:$0x5] =	wrdreg $0x9  }
0xb2: {  	_ =	task.clear_ibuf [dreg:s7], $0x6FFFF;
	_ =	strace $0x90000046  }
0xb3: {  	s29 =	simm.s32 $0x9;
	_ =	strace $0x80000048  }
0xb4: {  	_ =	swait.ge [sflag:s29], $0x1  }
0xb5: {  	[sflag:s29] =	ssyncadd.s32 $0xFFFFFFFF  }
0xb6: {  	_ =	strace $0x90000048  }
0xb7: {  	_ =	sfence  }
0xb8: {  	s30 =	sld [smem:$0x0];
	_ =	sdelay $0x2  }
0xb9: {  	s31 =	sshll.u32 s1, $0xD;
	s1 =	sshrl.u32 s1, $0x2  }
0xba: {  	s3 =	sand.u32 $0x4000, s31;
	s1 =	sadd.s32 s1, s30  }
0xbb: {  	s0 =	sor.u32 s3, s0;
	s1 =	sshll.u32 s1, $0x11  }
0xbc: {  	s0 =	sor.u32 s1, s0  }
0xbd: {  	s0 =	sadd.s32 $0x8F2B, s0  }
0xbe: {  	[sflag:s0] =	ssyncadd.remote.s32 $0x1  }
0xbf: {  	_ =	sfence.sel $0xFFFF  }
0xc0: {  	[dreg:$0x0] =	wrdreg $0xFFFFFFFF;
	(pc) =	sbr.abs _section_cstart, $3  }
0xc1: {  	[dreg:$0x1] =	wrdreg $0xFFFFFFFF  }
0xc2: {  	_ =	task.clear_ibuf [dreg:s7], $0x2FFFF;
	_ =	strace $0x9FFFFFFF  }
0xc3: {  	(tm) =	ssettm $0x7FFFFFFF  }
tec
execute0_lowered:
.L_overlay_start_1:
0x0: {  	(tag) =	ssettag $0x1  }
0x1: {  	s6 =	rddreg [dreg:$0x0]  }
0x2: {  	s11 =	rddreg [dreg:$0x1]  }
0x3: {  	s2 =	rddreg [dreg:$0x2]  }
0x4: {  	s0 =	rddreg [dreg:$0x3];
	s3 =	simm.s32 $0x0  }
0x5: {  	s1 =	stileid.u32;
	s5 =	srdreg.scid;
	s17 =	simm.s32 $0x80  }
0x6: {  	s18 =	simm.s32 $0x6400;
	s19 =	simm.s32 $0x1;
	s20 =	simm.s32 $0x8C00  }
0x7: {  	s21 =	simm.s32 $0x2;
	s22 =	simm.s32 $0x0;
	[smem:$0x7FF] =	sst s3  }
0x8: {  	s7 =	smul.u32 $0xC800, s1;
	s4 =	sadd.s32 $0xBA00, s6;
	s10 =	sadd.s32 $0x1C00, s6  }
0x9: {  	s8 =	sand.u32 $0x1, s5;
	s5 =	sadd.s32 $0x24A00, s6;
	s29 =	smul.u32 $0x3200, s1  }
0xa: {  	s30 =	sshll.u32 s1, $0x6;
	s31 =	smul.u32 $0x390, s1;
	_ =	strace $0x80000047  }
0xb: {  	s12 =	ssub.s32 $0x2, s8;
	p0 =	seq.s32 s8, $0x1;
	s9 =	sshrl.u32 s7, $0x3  }
0xc: {  	s28 =	sshrl.u32 s12, $0x1;
	s15 =	sadd.s32 s7, s2;
	s7 =	sadd.s32 s10, s31  }
.Ltmp0:
0xd: {  	s8 =	sadd.s32 s11, s31;
	s13 =	sadd.s32 s9, s6;
	(pc) =	sbr.rel .LBB2_1-.Ltmp0, $4  }
0xe: {  	s14 =	ssub.s32 s12, s28;
	s6 =	sor.u32 $0x1C03, s30;
	s9 =	sshrl.u32 s29, $0x3  }
0xf: {  	s16 =	sadd.s32 $0x3900, s9;
	s9 =	sadd.s32 $0x26400, s13;
	s12 =	sadd.s32 $0x3F400, s13  }
0x10: {  	s13 =	smax.u32 s14, $0x1;
	s14 =	sshrl.u32 s15, $0x3;
	s15 =	simm.s32 $0x3  }
0x11: {  	s10 =	sadd.s32 s10, s16;
	s11 =	sadd.s32 s11, s16;
	s16 =	simm.s32 $0x3200  }
.LBB2_11:
0x12: {  	s25 =	sadd.s32 $0xFFFFFFFF, s24;
	s24 =	smov.u32 s9  }
.LBB2_12:
0x13: {  	s25 =	sshll.u32 s25, $0x7  }
0x14: {  	s25 =	sand.u32 $0x3FFFFF80, s25  }
0x15: {  	s25 =	sadd.s32 $0x3200, s25  }
0x16: {  	[spmem:s2] =	stream.indirect.scatter.add.f32 [tilespmem:s23], [sflag:$0x2], $0x50, s25, s17, $0xb8;
	[tilespmem:$0x17C00] =	vst v63  }
.LBB2_13:
0x17: {  	_ =	swait.ge [sflag:s21], $0x2800  }
0x18: {  	s22 =	sadd.s32 $0x1, s22;
	[sflag:s21] =	ssyncset.done $0x0  }
0x19: {  	p1 =	sne.s32 s22, s13;
	[sflag:s21] =	ssyncadd.s32 $0xFFFFD800  }
.Ltmp1:
0x1a: {  	[bflag:$0x0] =	sbarrier.arrive $0xFFFF;
	(pc) =	sbr.rel @!p1 .LBB2_14-.Ltmp1, $4  }
0x1b: {  	[hbm:s24], [sflag:s6] =	dma.local [spmem:s14], $0x1900  }
0x1c: {  	_ =	swait.ge [sflag:s15], $0x1900  }
0x1d: {  	[sflag:s15] =	ssyncset.done $0x0  }
0x1e: {  	[sflag:s15] =	ssyncadd.s32 $0xFFFFE700  }
.LBB2_1:
.Ltmp2:
0x1f: {  	(pc) =	sbr.rel @!p0 .LBB2_2-.Ltmp2, $4  }
0x20: {  	[spmem:s14], [sflag:s6] =	dma.local [hbm:s5], $0x1900  }
0x21: {  	_ =	swait.ge [sflag:s15], $0x1900  }
0x22: {  	[sflag:s15] =	ssyncset.done $0x0  }
0x23: {  	[sflag:s15] =	ssyncadd.s32 $0xFFFFE700  }
0x24: {  	[tilespmem:s3], [sflag:$0x3] =	stream.linear.gather [hbm4b:s10+s3], $0x3200, $0x38;
	[tilespmem:$0x17C00] =	vst v63  }
0x25: {  	_ =	swait.ge [sflag:s15], $0x3200  }
0x26: {  	[sflag:s15] =	ssyncset.done $0x0  }
0x27: {  	[sflag:s15] =	ssyncadd.s32 $0xFFFFCE00  }
0x28: {  	[tilespmem:s16], [sflag:$0x3] =	stream.linear.gather [hbm4b:s11+s3], $0x3200, $0x38;
	[tilespmem:$0x17C00] =	vst v63  }
0x29: {  	_ =	swait.ge [sflag:s15], $0x3200  }
0x2a: {  	[sflag:s15] =	ssyncset.done $0x0  }
0x2b: {  	[sflag:s15] =	ssyncadd.s32 $0xFFFFCE00  }
0x2c: {  	[bflag:$0x0] =	sbarrier.arrive $0xFFFF  }
0x2d: {  	[tilespmem:s18], [sflag:$0x1] =	stream.indirect.gather [hbm4b:s4+s17], $0x50, s3, s17, $0xb8;
	[tilespmem:$0x17C00] =	vst v63  }
0x2e: {  	_ =	swait.ge [sflag:s19], $0x2800  }
0x2f: {  	[sflag:s19] =	ssyncset.done $0x0  }
0x30: {  	[sflag:s19] =	ssyncadd.s32 $0xFFFFD800  }
0x31: {  	[tilespmem:s20], [sflag:$0x1] =	stream.indirect.gather [hbm4b:s4+s17], $0x50, s17, s17, $0xb8;
	[tilespmem:$0x17C00] =	vst v63  }
0x32: {  	s24 =	simm.s32 $0x2;
	s25 =	simm.s32 $0x3280;
	s26 =	simm.s32 $0x100  }
0x33: {  	[spmem:s2] =	stream.indirect.scatter.add.f32 [tilespmem:s18], [sflag:$0x2], $0x50, s16, s17, $0xb8;
	[tilespmem:$0x17C00] =	vst v63  }
.LBB2_7:
0x34: {  	_ =	swait.ge [sflag:s19], $0x2800;
	p2 =	seq.s32 s24, $0x64  }
.Ltmp3:
0x35: {  	[sflag:s19] =	ssyncset.done $0x0;
	(pc) =	sbr.rel @p2 .LBB2_10-.Ltmp3, $4  }
0x36: {  	[sflag:s19] =	ssyncadd.s32 $0xFFFFD800  }
0x37: {  	s23 =	sand.u32 $0x1, s24;
	_ =	swait.ge [sflag:s21], $0x2800  }
0x38: {  	p1 =	seq.s32 s23, $0x1;
	s23 =	simm.s32 $0x6400;
	[sflag:s21] =	ssyncset.done $0x0  }
0x39: {  	s23 =	simm.s32 @!p1 $0x8C00;
	[sflag:s21] =	ssyncadd.s32 $0xFFFFD800  }
0x3a: {  	s28 =	simm.s32 $0x8C00;
	s24 =	sadd.s32 $0x1, s24  }
0x3b: {  	s28 =	simm.s32 @!p1 $0x6400;
	p1 =	seq.s32 s24, $0x65  }
.Ltmp4:
0x3c: {  	_ = 	snop;
	(pc) =	sbr.rel @!p1 .LBB2_7-.Ltmp4, $4  }
0x3d: {  	[tilespmem:s28], [sflag:$0x1] =	stream.indirect.gather [hbm4b:s4+s17], $0x50, s26, s17, $0xb8;
	[tilespmem:$0x17C00] =	vst v63  }
0x3e: {  	_ = 	snop  }
0x3f: {  	[spmem:s2] =	stream.indirect.scatter.add.f32 [tilespmem:s23], [sflag:$0x2], $0x50, s25, s17, $0xb8;
	[tilespmem:$0x17C00] =	vst v63  }
0x40: {  	s26 =	sadd.s32 $0x80, s26;
	s25 =	sadd.s32 $0x80, s25  }
.Ltmp5:
0x41: {  	(pc) =	sbr.rel .LBB2_13-.Ltmp5, $2  }
0x42: {  	_ =	sdelay $0x2  }
0x43: {  	s24 =	smov.u32 s12  }
.LBB2_2:
0x44: {  	[tilespmem:s3], [sflag:$0x3] =	stream.linear.gather [hbm4b:s7+s3], $0x1C80, $0x38;
	[tilespmem:$0x17C00] =	vst v63  }
0x45: {  	_ =	swait.ge [sflag:s15], $0x1C80  }
0x46: {  	[sflag:s15] =	ssyncset.done $0x0  }
0x47: {  	[sflag:s15] =	ssyncadd.s32 $0xFFFFE380  }
0x48: {  	[tilespmem:s16], [sflag:$0x3] =	stream.linear.gather [hbm4b:s8+s3], $0x1C80, $0x38;
	[tilespmem:$0x17C00] =	vst v63  }
0x49: {  	_ =	swait.ge [sflag:s15], $0x1C80  }
0x4a: {  	[sflag:s15] =	ssyncset.done $0x0  }
0x4b: {  	[sflag:s15] =	ssyncadd.s32 $0xFFFFE380  }
0x4c: {  	[bflag:$0x0] =	sbarrier.arrive $0xFFFF  }
0x4d: {  	[tilespmem:s18], [sflag:$0x1] =	stream.indirect.gather [hbm4b:s4+s17], $0x50, s3, s17, $0xb8;
	[tilespmem:$0x17C00] =	vst v63  }
0x4e: {  	_ =	swait.ge [sflag:s19], $0x2800  }
0x4f: {  	[sflag:s19] =	ssyncset.done $0x0  }
0x50: {  	[sflag:s19] =	ssyncadd.s32 $0xFFFFD800  }
0x51: {  	[tilespmem:s20], [sflag:$0x1] =	stream.indirect.gather [hbm4b:s4+s17], $0x50, s17, s17, $0xb8;
	[tilespmem:$0x17C00] =	vst v63  }
0x52: {  	s24 =	simm.s32 $0x2;
	s25 =	simm.s32 $0x3280;
	s26 =	simm.s32 $0x100  }
0x53: {  	[spmem:s2] =	stream.indirect.scatter.add.f32 [tilespmem:s18], [sflag:$0x2], $0x50, s16, s17, $0xb8;
	[tilespmem:$0x17C00] =	vst v63  }
.LBB2_3:
0x54: {  	_ =	swait.ge [sflag:s19], $0x2800;
	p2 =	seq.s32 s24, $0x39  }
.Ltmp6:
0x55: {  	[sflag:s19] =	ssyncset.done $0x0;
	(pc) =	sbr.rel @p2 .LBB2_11-.Ltmp6, $4  }
0x56: {  	[sflag:s19] =	ssyncadd.s32 $0xFFFFD800  }
0x57: {  	s23 =	sand.u32 $0x1, s24;
	_ =	swait.ge [sflag:s21], $0x2800  }
0x58: {  	p1 =	seq.s32 s23, $0x1;
	s23 =	simm.s32 $0x6400;
	[sflag:s21] =	ssyncset.done $0x0  }
0x59: {  	s23 =	simm.s32 @!p1 $0x8C00;
	[sflag:s21] =	ssyncadd.s32 $0xFFFFD800  }
0x5a: {  	s28 =	simm.s32 $0x8C00;
	s24 =	sadd.s32 $0x1, s24  }
0x5b: {  	s28 =	simm.s32 @!p1 $0x6400;
	p1 =	seq.s32 s24, $0x3A  }
.Ltmp7:
0x5c: {  	_ = 	snop;
	(pc) =	sbr.rel @!p1 .LBB2_3-.Ltmp7, $4  }
0x5d: {  	[tilespmem:s28], [sflag:$0x1] =	stream.indirect.gather [hbm4b:s4+s17], $0x50, s26, s17, $0xb8;
	[tilespmem:$0x17C00] =	vst v63  }
0x5e: {  	_ = 	snop  }
0x5f: {  	[spmem:s2] =	stream.indirect.scatter.add.f32 [tilespmem:s23], [sflag:$0x2], $0x50, s25, s17, $0xb8;
	[tilespmem:$0x17C00] =	vst v63  }
0x60: {  	s26 =	sadd.s32 $0x80, s26;
	s25 =	sadd.s32 $0x80, s25  }
.Ltmp8:
0x61: {  	(pc) =	sbr.rel .LBB2_13-.Ltmp8, $2  }
0x62: {  	_ =	sdelay $0x2  }
0x63: {  	s24 =	smov.u32 s9  }
.LBB2_10:
.Ltmp9:
0x64: {  	(pc) =	sbr.rel .LBB2_12-.Ltmp9, $2  }
0x65: {  	_ =	sdelay $0x2  }
0x66: {  	s25 =	sadd.s32 $0xFFFFFFFF, s24;
	s24 =	smov.u32 s12  }
.LBB2_14:
0x67: {  	_ =	sfence.sel $0x180000  }
0x68: {  	[bflag:$0x0] =	sbarrier.arrive $0xFFFF  }
0x69: {  	p0 =	sne.s32 s1, $0x0;
	_ =	strace $0x90000047  }
0x6a: {  	s0 =	sadd.s32 @!p0 $0x100000, s0;
	[bflag:$0x2] =	sbarrier.arrive $0xFFFF  }
0x6b: {  	[sflag:s0] =	ssyncadd.tile.s32 @!p0 $0x1;
	_ =	shalt  }
.Lfunc_end2:
_tile_overlayer_lowered:
.L_overlay_start_2:
0x6c: {  	(tag) =	ssettag $0x2  }
0x6d: {  	s0 =	rddreg [dreg:$0x0];
	s2 =	stileid.u32  }
0x6e: {  	s1 =	rddreg [dreg:$0x1];
	p0 =	sne.s32 s2, $0x0  }
0x6f: {  	s3 =	rddreg [dreg:$0x2];
	[bflag:$0x3] =	sbarrier.arrive $0xFFFF;
	s2 =	simm.s32 @!p0 $0x1C03  }
0x70: {  	[timem:s3], [sflag:s2] =	dma.local @!p0 [hbm:s0], s1  }
0x71: {  	s0 =	simm.s32 @!p0 $0x3  }
0x72: {  	_ =	swait.ge @!p0 [sflag:s0], s1  }
0x73: {  	s1 =	ssub.s32 @!p0 $0x0, s1;
	[sflag:s0] =	ssyncset.done @!p0 $0x0  }
0x74: {  	[sflag:s0] =	ssyncadd.s32 @!p0 s1  }
0x75: {  	[bflag:$0x3] =	sbarrier.arrive $0xFFFF  }
0x76: {  	_ =	shalt  }

</sc_bundles>
